<compile_context>
chip_gen: v7x
topology: tpu7x:2x2x1
jax: 0.10.2.dev20260603
libtpu: 0.0.44.dev20260713+nightly
codegen_flags: <defaults>
</compile_context>

<pallas_src>
import jax
import jax.numpy as jnp
from jax import lax
from jax.experimental import pallas as pl
from jax.experimental.pallas import tpu as pltpu
from jax.experimental.pallas import tpu_sc as plsc

N = 10000
E = 320000
NFEAT = 128
HDIM = 64
NCLASS = 40

NC = 2
NS = 16
NW = NC * NS
E_PER_W = E // NW
CHUNK = 80
NCHUNK = E_PER_W // CHUNK
G = 5
NGRP = NCHUNK // G
LAG = 16
NPAD = 10240
ROWS_PER_S = NPAD // NS
BR = 2000

_SC_MESH = plsc.VectorSubcoreMesh(
    core_axis_name="c", subcore_axis_name="s", num_cores=NC, num_subcores=NS)
_SC_PARAMS = pltpu.CompilerParams(use_tc_tiling_on_sc=False)


def _deg_body(ei_hbm, ones_hbm, zeros_hbm, out_hbm, idx_d, ones_v, acc, sem):
  c = lax.axis_index("c")
  s = lax.axis_index("s")
  pltpu.sync_copy(zeros_hbm.at[pl.ds(s * ROWS_PER_S, ROWS_PER_S)],
                  acc.at[pl.ds(s * ROWS_PER_S, ROWS_PER_S)])
  pltpu.sync_copy(ei_hbm.at[pl.ds(E + (c * NS + s) * E_PER_W, E_PER_W)], idx_d)
  pltpu.sync_copy(ones_hbm, ones_v)
  plsc.subcore_barrier()

  def drain():
    pltpu.make_async_copy(ones_hbm, ones_v, sem).wait()

  def step(j, carry):
    pltpu.async_copy(ones_v, acc.at[idx_d.at[pl.ds(j * CHUNK, CHUNK)]],
                     sem, add=True)

    @pl.when(j >= LAG)
    def _():
      drain()

    return carry

  lax.fori_loop(0, NCHUNK, step, 0)
  for _ in range(LAG):
    drain()
  plsc.subcore_barrier()
  pltpu.sync_copy(acc.at[pl.ds(s * ROWS_PER_S, ROWS_PER_S)],
                  out_hbm.at[c, pl.ds(s * ROWS_PER_S, ROWS_PER_S)])


def _sc_degree(ei_flat):
  ones = jnp.ones((CHUNK, 16), jnp.float32)
  zeros = jnp.zeros((NPAD, 16), jnp.float32)
  return pl.kernel(
      _deg_body,
      out_type=jax.ShapeDtypeStruct((NC, NPAD, 16), jnp.float32),
      mesh=_SC_MESH,
      scratch_types=[
          pltpu.VMEM((E_PER_W,), jnp.int32),
          pltpu.VMEM((CHUNK, 16), jnp.float32),
          pltpu.VMEM_SHARED((NPAD, 16), jnp.float32),
          pltpu.SemaphoreType.DMA,
      ],
      compiler_params=_SC_PARAMS,
  )(ei_flat, ones, zeros)


def _edge_body(g_hbm, ei_hbm, zeros_hbm, out_hbm,
               idx_s, idx_d, rows, acc, gsem, ssem):
  c = lax.axis_index("c")
  s = lax.axis_index("s")
  base = (c * NS + s) * E_PER_W
  pltpu.sync_copy(ei_hbm.at[pl.ds(base, E_PER_W)], idx_s)

  def fire_gather(j, slot):
    pltpu.async_copy(g_hbm.at[idx_s.at[pl.ds(j * CHUNK, CHUNK)]],
                     rows.at[slot], gsem)

  def drain_gather(slot):
    pltpu.make_async_copy(g_hbm.at[pl.ds(0, CHUNK)], rows.at[slot], gsem).wait()

  def fire_scatter(j, slot):
    pltpu.async_copy(rows.at[slot], acc.at[idx_d.at[pl.ds(j * CHUNK, CHUNK)]],
                     ssem, add=True)

  def drain_scatter(slot):
    pltpu.make_async_copy(g_hbm.at[pl.ds(0, CHUNK)], rows.at[slot], ssem).wait()

  for b in range(G):
    fire_gather(b, b)
  pltpu.sync_copy(ei_hbm.at[pl.ds(E + base, E_PER_W)], idx_d)
  pltpu.sync_copy(zeros_hbm.at[pl.ds(s * ROWS_PER_S, ROWS_PER_S)],
                  acc.at[pl.ds(s * ROWS_PER_S, ROWS_PER_S)])
  plsc.subcore_barrier()

  def body(J, carry):
    cur = lax.rem(J, 2)
    nxt = 1 - cur

    @pl.when(J >= 1)
    def _():
      for b in range(G):
        drain_scatter(nxt * G + b)

    @pl.when(J + 1 < NGRP)
    def _():
      for b in range(G):
        fire_gather((J + 1) * G + b, nxt * G + b)

    for b in range(G):
      drain_gather(cur * G + b)
    for b in range(G):
      fire_scatter(J * G + b, cur * G + b)
    return carry

  lax.fori_loop(0, NGRP, body, 0)
  last = (NGRP - 1) % 2
  for b in range(G):
    drain_scatter(last * G + b)
  plsc.subcore_barrier()
  pltpu.sync_copy(acc.at[pl.ds(s * ROWS_PER_S, ROWS_PER_S)],
                  out_hbm.at[c, pl.ds(s * ROWS_PER_S, ROWS_PER_S)])


def _sc_scatter(g, ei_flat):
  zeros = jnp.zeros((NPAD, HDIM), jnp.float32)
  return pl.kernel(
      _edge_body,
      out_type=jax.ShapeDtypeStruct((NC, NPAD, HDIM), jnp.float32),
      mesh=_SC_MESH,
      scratch_types=[
          pltpu.VMEM((E_PER_W,), jnp.int32),
          pltpu.VMEM((E_PER_W,), jnp.int32),
          pltpu.VMEM((2 * G, CHUNK, HDIM), jnp.float32),
          pltpu.VMEM_SHARED((NPAD, HDIM), jnp.float32),
          pltpu.SemaphoreType.DMA,
          pltpu.SemaphoreType.DMA,
      ],
      compiler_params=_SC_PARAMS,
  )(g, ei_flat, zeros)


def _mm_body(x_ref, wx_ref, bx_ref, wg_ref, h2_ref):
  h = jnp.dot(x_ref[...], wx_ref[...], preferred_element_type=jnp.float32)
  h = jnp.maximum(h + bx_ref[...], 0.0)
  h2_ref[...] = jnp.dot(h, wg_ref[...], preferred_element_type=jnp.float32)


def _tc_mm(x, Wx, bx, Wg):
  return pl.pallas_call(
      _mm_body,
      grid=(N // BR,),
      in_specs=[
          pl.BlockSpec((BR, NFEAT), lambda i: (i, 0)),
          pl.BlockSpec((NFEAT, HDIM), lambda i: (0, 0)),
          pl.BlockSpec((1, HDIM), lambda i: (0, 0)),
          pl.BlockSpec((HDIM, HDIM), lambda i: (0, 0)),
      ],
      out_specs=pl.BlockSpec((BR, HDIM), lambda i: (i, 0)),
      out_shape=jax.ShapeDtypeStruct((N, HDIM), jnp.float32),
  )(x, Wx, bx.reshape(1, HDIM), Wg)


def _scale_body(h2_ref, dp_ref, g_ref):
  dp = dp_ref[...]
  deg = dp[0] + dp[1] + 1.0
  dinv = lax.rsqrt(deg)[:, 0:1]
  g_ref[...] = h2_ref[...] * dinv


def _tc_scale(h2, deg_parts):
  return pl.pallas_call(
      _scale_body,
      grid=(N // BR,),
      in_specs=[
          pl.BlockSpec((BR, HDIM), lambda i: (i, 0)),
          pl.BlockSpec((NC, BR, 16), lambda i: (0, i, 0)),
      ],
      out_specs=pl.BlockSpec((BR, HDIM), lambda i: (i, 0)),
      out_shape=jax.ShapeDtypeStruct((N, HDIM), jnp.float32),
  )(h2, deg_parts)


def _back_body(raw_ref, dp_ref, g_ref, bg_ref, wz_ref, bz_ref, out_ref):
  dp = dp_ref[...]
  deg = dp[0] + dp[1] + 1.0
  dinv = lax.rsqrt(deg)[:, 0:1]
  raw = raw_ref[...]
  l1 = (raw[0] + raw[1] + g_ref[...]) * dinv + bg_ref[...]
  z = jnp.dot(l1, wz_ref[...], preferred_element_type=jnp.float32)
  out_ref[...] = jnp.maximum(z + bz_ref[...], 0.0).T


def _tc_back(raw, deg_parts, g, bg, Wz, bz):
  br = 2048
  out_t = pl.pallas_call(
      _back_body,
      grid=(NPAD // br,),
      in_specs=[
          pl.BlockSpec((NC, br, HDIM), lambda i: (0, i, 0)),
          pl.BlockSpec((NC, br, 16), lambda i: (0, i, 0)),
          pl.BlockSpec((br, HDIM), lambda i: (i, 0)),
          pl.BlockSpec((1, HDIM), lambda i: (0, 0)),
          pl.BlockSpec((HDIM, NCLASS), lambda i: (0, 0)),
          pl.BlockSpec((1, NCLASS), lambda i: (0, 0)),
      ],
      out_specs=pl.BlockSpec((NCLASS, br), lambda i: (0, i)),
      out_shape=jax.ShapeDtypeStruct((NCLASS, NPAD), jnp.float32),
  )(raw, deg_parts, g, bg.reshape(1, HDIM), Wz, bz.reshape(1, NCLASS))
  return out_t[:, :N].T


def kernel(x, edge_index, Wx, bx, Wg, bg, Wz, bz):
  ei_flat = edge_index.reshape(2 * E)
  deg_parts = _sc_degree(ei_flat)
  h2 = _tc_mm(x, Wx, bx, Wg)
  g = _tc_scale(h2, deg_parts)
  raw = _sc_scatter(g, ei_flat)
  return _tc_back(raw, deg_parts, g, bg, Wz, bz)

# --- scband reference (transcript-rebuilt; emitter-appended) ---
"""Pipeline reference for scband-son-net-64433099375288 (READ-ONLY COPY).

The authoritative reference and input builder live on the scoring server;
editing this copy changes nothing except your own understanding.
"""

import jax, jax.numpy as jnp
import numpy as np

# SonNet is a NAS supernet whose architecture is selected by a pickled 'supermask'.
# The original code is unrunnable as-is (missing pickle import, reads tmp.pkl).
# We fix supermask = [3, 4, 0, 0, 0, 0, 0, 3]:
#   supermask[0]=3 -> x = relu(Linear(nfeat->64)(x))
#   supermask[1]=4 -> l1_output = GCNConv(64,64)(x, edge_index)  (Gcn)
#   supermask[2..6]=0 -> li_output = x, but local_mask zeros them out
#     (local_mask[int((4-1)/12)]=local_mask[0]=0; local_mask[2..6]=0; local_mask=[0,1,0,0,0,0,0])
#   aggregation: x = l1_output * 1 / 1.0
#   supermask[7]=3 -> out = relu(Linear(64->nclass)(x))

N = 10000
E = 320000
NFEAT = 128
HDIM = 64
NCLASS = 40


def setup_inputs(seed: int = 0) -> dict:
    key = jax.random.key(seed)
    ks = jax.random.split(key, 8)
    x = jax.random.normal(ks[0], (N, NFEAT), dtype=jnp.float32)
    edge_index = jax.random.randint(ks[1], (2, E), 0, N, dtype=jnp.int32)
    Wx = jax.random.normal(ks[2], (NFEAT, HDIM), dtype=jnp.float32) * (1.0 / np.sqrt(NFEAT))
    bx = jnp.zeros((HDIM,), dtype=jnp.float32)
    Wg = jax.random.normal(ks[3], (HDIM, HDIM), dtype=jnp.float32) * (1.0 / np.sqrt(HDIM))
    bg = jnp.zeros((HDIM,), dtype=jnp.float32)
    Wz = jax.random.normal(ks[4], (HDIM, NCLASS), dtype=jnp.float32) * (1.0 / np.sqrt(HDIM))
    bz = jnp.zeros((NCLASS,), dtype=jnp.float32)
    return {"x": x, "edge_index": edge_index, "Wx": Wx, "bx": bx, "Wg": Wg, "bg": bg, "Wz": Wz, "bz": bz}


def gcn_conv(x, edge_index, W, b):
    # torch_geometric GCNConv: add self loops + symmetric normalization
    src = edge_index[0]
    dst = edge_index[1]
    loop = jnp.arange(N, dtype=edge_index.dtype)
    src = jnp.concatenate([src, loop])
    dst = jnp.concatenate([dst, loop])
    h = x @ W
    ones = jnp.ones(src.shape[0], dtype=h.dtype)
    deg = jax.ops.segment_sum(ones, dst, num_segments=N)
    dinv = jnp.where(deg > 0, jax.lax.rsqrt(jnp.maximum(deg, 1e-12)), 0.0)
    norm = dinv[src] * dinv[dst]
    msgs = h[src] * norm[:, None]
    out = jax.ops.segment_sum(msgs, dst, num_segments=N)
    return out + b


def reference(x, edge_index, Wx, bx, Wg, bg, Wz, bz):
    # x = self.x_3(self.x(x))  (supermask[0]=3 -> relu)
    h = jax.nn.relu(x @ Wx + bx)
    # l1_output = GCNConv(h, edge_index)  (supermask[1]=4)
    l1 = gcn_conv(h, edge_index, Wg, bg)
    # weighted sum with local_mask=[0,1,0,0,0,0,0], sum()=1
    agg = l1 * 1.0 / 1.0
    # self.z_3(self.z(x))  (supermask[7]=3 -> relu)
    return jax.nn.relu(agg @ Wz + bz)

if __name__ == "__main__":
    import jax
    _d = setup_inputs()
    print(jax.jit(kernel)(*tuple(_d.values())))

</pallas_src>

<mosaic_0001>
#map = affine_map<(d0, d1) -> (0, 0)>
#map1 = affine_map<(d0, d1) -> (0)>
#map2 = affine_map<(d0, d1) -> (0, 0, 0)>
module attributes {stable_mosaic.version = 14 : i64} {
  func.func @_edge_body(%arg0: i32, %arg1: i32, %arg2: memref<10000x64xf32, #tpu.memory_space<hbm>>, %arg3: memref<640000xi32, #tpu.memory_space<hbm>>, %arg4: memref<10240x64xf32, #tpu.memory_space<hbm>>, %arg5: memref<2x10240x64xf32, #tpu.memory_space<hbm>>, %arg6: memref<10000xi32, #tpu.memory_space<vmem>>, %arg7: memref<10000xi32, #tpu.memory_space<vmem>>, %arg8: memref<10x80x64xf32, #tpu.memory_space<vmem>>, %arg9: memref<10240x64xf32, #tpu.memory_space<vmem_shared>>, %arg10: memref<!tpu.dma_semaphore, #tpu.memory_space<semaphore_mem>>, %arg11: memref<!tpu.dma_semaphore, #tpu.memory_space<semaphore_mem>>) attributes {dimension_semantics = [#tpu.dimension_semantics<core_parallel>, #tpu.dimension_semantics<subcore_parallel>], iteration_bounds = array<i64: 2, 16>, scalar_prefetch = 0 : i64, scratch_operands = 6 : i64, tpu.core_type = #tpu.core_type<sc_vector_subcore>, window_params = [{transform_indices = #map}, {transform_indices = #map1}, {transform_indices = #map}, {transform_indices = #map2}]} {
    %mul3A = arith.constant 16 : i32
    %mul3A_0 = arith.muli %arg0, %mul3A : i32
    %add3A = arith.addi %mul3A_0, %arg1 : i32
    %mul3A_1 = arith.constant 10000 : i32
    %mul3A_2 = arith.muli %add3A, %mul3A_1 : i32
    "tpu.region"() ({
      %run_scoped3A = tpu.sem_alloc : memref<!tpu.dma_semaphore, #tpu.memory_space<semaphore_mem>>
      %dma_start3A_142 = tpu.memref_slice %arg3[%mul3A_2] : memref<640000xi32, #tpu.memory_space<hbm>> -> memref<10000xi32, #tpu.memory_space<hbm>>
      %dma_start3A_143 = tpu.memref_slice %arg3[%mul3A_2] : memref<640000xi32, #tpu.memory_space<hbm>> -> memref<10000xi32, #tpu.memory_space<hbm>>
      tpu.enqueue_dma source(%dma_start3A_143 : memref<10000xi32, #tpu.memory_space<hbm>>) target(%arg6 : memref<10000xi32, #tpu.memory_space<vmem>>) target_semaphore(%run_scoped3A : memref<!tpu.dma_semaphore, #tpu.memory_space<semaphore_mem>>)
      %dma_wait3A_144 = tpu.memref_slice %arg3[%mul3A_2] : memref<640000xi32, #tpu.memory_space<hbm>> -> memref<10000xi32, #tpu.memory_space<hbm>>
      %dma_wait3A_145 = tpu.memref_slice %arg3[%mul3A_2] : memref<640000xi32, #tpu.memory_space<hbm>> -> memref<10000xi32, #tpu.memory_space<hbm>>
      tpu.wait_dma2 semaphore(%run_scoped3A : memref<!tpu.dma_semaphore, #tpu.memory_space<semaphore_mem>>) src(%dma_wait3A_145 : memref<10000xi32, #tpu.memory_space<hbm>>) dst(%arg6 : memref<10000xi32, #tpu.memory_space<vmem>>)
      tpu.yield
    }) : () -> ()
    %dma_start3A = arith.constant 0 : i32
    %dma_start3A_3 = arith.constant 0 : i32
    %dma_start3A_4 = arith.constant 0 : i32
    %dma_start3A_5 = tpu.memref_slice %arg8[%dma_start3A, %dma_start3A_3, %dma_start3A_4] : memref<10x80x64xf32, #tpu.memory_space<vmem>> -> memref<1x80x64xf32, #tpu.memory_space<vmem>>
    %dma_start3A_6 = tpu.memref_squeeze %dma_start3A_5 : memref<1x80x64xf32, #tpu.memory_space<vmem>> -> memref<80x64xf32, #tpu.memory_space<vmem>>
    %dma_start3A_7 = arith.constant 0 : i32
    %dma_start3A_8 = tpu.memref_slice %arg6[%dma_start3A_7] : memref<10000xi32, #tpu.memory_space<vmem>> -> memref<80xi32, #tpu.memory_space<vmem>>
    %dma_start3A_9 = arith.constant 0 : i32
    %dma_start3A_10 = arith.constant 0 : i32
    %dma_start3A_11 = tpu.memref_slice %arg2[%dma_start3A_9, %dma_start3A_10] : memref<10000x64xf32, #tpu.memory_space<hbm>> -> memref<10000x64xf32, #tpu.memory_space<hbm>>
    tpu.enqueue_indirect_dma source(%dma_start3A_11 : memref<10000x64xf32, #tpu.memory_space<hbm>>) target(%dma_start3A_6 : memref<80x64xf32, #tpu.memory_space<vmem>>) offsets(%dma_start3A_8 : memref<80xi32, #tpu.memory_space<vmem>>) semaphore(%arg10 : memref<!tpu.dma_semaphore, #tpu.memory_space<semaphore_mem>>)
    %dma_start3A_12 = arith.constant 1 : i32
    %dma_start3A_13 = arith.constant 0 : i32
    %dma_start3A_14 = arith.constant 0 : i32
    %dma_start3A_15 = tpu.memref_slice %arg8[%dma_start3A_12, %dma_start3A_13, %dma_start3A_14] : memref<10x80x64xf32, #tpu.memory_space<vmem>> -> memref<1x80x64xf32, #tpu.memory_space<vmem>>
    %dma_start3A_16 = tpu.memref_squeeze %dma_start3A_15 : memref<1x80x64xf32, #tpu.memory_space<vmem>> -> memref<80x64xf32, #tpu.memory_space<vmem>>
    %dma_start3A_17 = arith.constant 80 : i32
    %dma_start3A_18 = tpu.memref_slice %arg6[%dma_start3A_17] : memref<10000xi32, #tpu.memory_space<vmem>> -> memref<80xi32, #tpu.memory_space<vmem>>
    %dma_start3A_19 = arith.constant 0 : i32
    %dma_start3A_20 = arith.constant 0 : i32
    %dma_start3A_21 = tpu.memref_slice %arg2[%dma_start3A_19, %dma_start3A_20] : memref<10000x64xf32, #tpu.memory_space<hbm>> -> memref<10000x64xf32, #tpu.memory_space<hbm>>
    tpu.enqueue_indirect_dma source(%dma_start3A_21 : memref<10000x64xf32, #tpu.memory_space<hbm>>) target(%dma_start3A_16 : memref<80x64xf32, #tpu.memory_space<vmem>>) offsets(%dma_start3A_18 : memref<80xi32, #tpu.memory_space<vmem>>) semaphore(%arg10 : memref<!tpu.dma_semaphore, #tpu.memory_space<semaphore_mem>>)
    %dma_start3A_22 = arith.constant 2 : i32
    %dma_start3A_23 = arith.constant 0 : i32
    %dma_start3A_24 = arith.constant 0 : i32
    %dma_start3A_25 = tpu.memref_slice %arg8[%dma_start3A_22, %dma_start3A_23, %dma_start3A_24] : memref<10x80x64xf32, #tpu.memory_space<vmem>> -> memref<1x80x64xf32, #tpu.memory_space<vmem>>
    %dma_start3A_26 = tpu.memref_squeeze %dma_start3A_25 : memref<1x80x64xf32, #tpu.memory_space<vmem>> -> memref<80x64xf32, #tpu.memory_space<vmem>>
    %dma_start3A_27 = arith.constant 160 : i32
    %dma_start3A_28 = tpu.memref_slice %arg6[%dma_start3A_27] : memref<10000xi32, #tpu.memory_space<vmem>> -> memref<80xi32, #tpu.memory_space<vmem>>
    %dma_start3A_29 = arith.constant 0 : i32
    %dma_start3A_30 = arith.constant 0 : i32
    %dma_start3A_31 = tpu.memref_slice %arg2[%dma_start3A_29, %dma_start3A_30] : memref<10000x64xf32, #tpu.memory_space<hbm>> -> memref<10000x64xf32, #tpu.memory_space<hbm>>
    tpu.enqueue_indirect_dma source(%dma_start3A_31 : memref<10000x64xf32, #tpu.memory_space<hbm>>) target(%dma_start3A_26 : memref<80x64xf32, #tpu.memory_space<vmem>>) offsets(%dma_start3A_28 : memref<80xi32, #tpu.memory_space<vmem>>) semaphore(%arg10 : memref<!tpu.dma_semaphore, #tpu.memory_space<semaphore_mem>>)
    %dma_start3A_32 = arith.constant 3 : i32
    %dma_start3A_33 = arith.constant 0 : i32
    %dma_start3A_34 = arith.constant 0 : i32
    %dma_start3A_35 = tpu.memref_slice %arg8[%dma_start3A_32, %dma_start3A_33, %dma_start3A_34] : memref<10x80x64xf32, #tpu.memory_space<vmem>> -> memref<1x80x64xf32, #tpu.memory_space<vmem>>
    %dma_start3A_36 = tpu.memref_squeeze %dma_start3A_35 : memref<1x80x64xf32, #tpu.memory_space<vmem>> -> memref<80x64xf32, #tpu.memory_space<vmem>>
    %dma_start3A_37 = arith.constant 240 : i32
    %dma_start3A_38 = tpu.memref_slice %arg6[%dma_start3A_37] : memref<10000xi32, #tpu.memory_space<vmem>> -> memref<80xi32, #tpu.memory_space<vmem>>
    %dma_start3A_39 = arith.constant 0 : i32
    %dma_start3A_40 = arith.constant 0 : i32
    %dma_start3A_41 = tpu.memref_slice %arg2[%dma_start3A_39, %dma_start3A_40] : memref<10000x64xf32, #tpu.memory_space<hbm>> -> memref<10000x64xf32, #tpu.memory_space<hbm>>
    tpu.enqueue_indirect_dma source(%dma_start3A_41 : memref<10000x64xf32, #tpu.memory_space<hbm>>) target(%dma_start3A_36 : memref<80x64xf32, #tpu.memory_space<vmem>>) offsets(%dma_start3A_38 : memref<80xi32, #tpu.memory_space<vmem>>) semaphore(%arg10 : memref<!tpu.dma_semaphore, #tpu.memory_space<semaphore_mem>>)
    %dma_start3A_42 = arith.constant 4 : i32
    %dma_start3A_43 = arith.constant 0 : i32
    %dma_start3A_44 = arith.constant 0 : i32
    %dma_start3A_45 = tpu.memref_slice %arg8[%dma_start3A_42, %dma_start3A_43, %dma_start3A_44] : memref<10x80x64xf32, #tpu.memory_space<vmem>> -> memref<1x80x64xf32, #tpu.memory_space<vmem>>
    %dma_start3A_46 = tpu.memref_squeeze %dma_start3A_45 : memref<1x80x64xf32, #tpu.memory_space<vmem>> -> memref<80x64xf32, #tpu.memory_space<vmem>>
    %dma_start3A_47 = arith.constant 320 : i32
    %dma_start3A_48 = tpu.memref_slice %arg6[%dma_start3A_47] : memref<10000xi32, #tpu.memory_space<vmem>> -> memref<80xi32, #tpu.memory_space<vmem>>
    %dma_start3A_49 = arith.constant 0 : i32
    %dma_start3A_50 = arith.constant 0 : i32
    %dma_start3A_51 = tpu.memref_slice %arg2[%dma_start3A_49, %dma_start3A_50] : memref<10000x64xf32, #tpu.memory_space<hbm>> -> memref<10000x64xf32, #tpu.memory_space<hbm>>
    tpu.enqueue_indirect_dma source(%dma_start3A_51 : memref<10000x64xf32, #tpu.memory_space<hbm>>) target(%dma_start3A_46 : memref<80x64xf32, #tpu.memory_space<vmem>>) offsets(%dma_start3A_48 : memref<80xi32, #tpu.memory_space<vmem>>) semaphore(%arg10 : memref<!tpu.dma_semaphore, #tpu.memory_space<semaphore_mem>>)
    %add3A_52 = arith.constant 320000 : i32
    %add3A_53 = arith.addi %add3A_52, %mul3A_2 : i32
    "tpu.region"() ({
      %run_scoped3A = tpu.sem_alloc : memref<!tpu.dma_semaphore, #tpu.memory_space<semaphore_mem>>
      %dma_start3A_142 = tpu.memref_slice %arg3[%add3A_53] : memref<640000xi32, #tpu.memory_space<hbm>> -> memref<10000xi32, #tpu.memory_space<hbm>>
      %dma_start3A_143 = tpu.memref_slice %arg3[%add3A_53] : memref<640000xi32, #tpu.memory_space<hbm>> -> memref<10000xi32, #tpu.memory_space<hbm>>
      tpu.enqueue_dma source(%dma_start3A_143 : memref<10000xi32, #tpu.memory_space<hbm>>) target(%arg7 : memref<10000xi32, #tpu.memory_space<vmem>>) target_semaphore(%run_scoped3A : memref<!tpu.dma_semaphore, #tpu.memory_space<semaphore_mem>>)
      %dma_wait3A_144 = tpu.memref_slice %arg3[%add3A_53] : memref<640000xi32, #tpu.memory_space<hbm>> -> memref<10000xi32, #tpu.memory_space<hbm>>
      %dma_wait3A_145 = tpu.memref_slice %arg3[%add3A_53] : memref<640000xi32, #tpu.memory_space<hbm>> -> memref<10000xi32, #tpu.memory_space<hbm>>
      tpu.wait_dma2 semaphore(%run_scoped3A : memref<!tpu.dma_semaphore, #tpu.memory_space<semaphore_mem>>) src(%dma_wait3A_145 : memref<10000xi32, #tpu.memory_space<hbm>>) dst(%arg7 : memref<10000xi32, #tpu.memory_space<vmem>>)
      tpu.yield
    }) : () -> ()
    %mul3A_54 = arith.constant 640 : i32
    %mul3A_55 = arith.muli %arg1, %mul3A_54 : i32
    %mul3A_56 = arith.constant 640 : i32
    %mul3A_57 = arith.muli %arg1, %mul3A_56 : i32
    "tpu.region"() ({
      %run_scoped3A = tpu.sem_alloc : memref<!tpu.dma_semaphore, #tpu.memory_space<semaphore_mem>>
      %dma_start3A_142 = arith.constant 0 : i32
      %dma_start3A_143 = tpu.memref_slice %arg9[%mul3A_57, %dma_start3A_142] : memref<10240x64xf32, #tpu.memory_space<vmem_shared>> -> memref<640x64xf32, #tpu.memory_space<vmem_shared>>
      %dma_start3A_144 = arith.constant 0 : i32
      %dma_start3A_145 = tpu.memref_slice %arg4[%mul3A_55, %dma_start3A_144] : memref<10240x64xf32, #tpu.memory_space<hbm>> -> memref<640x64xf32, #tpu.memory_space<hbm>>
      tpu.enqueue_dma source(%dma_start3A_145 : memref<640x64xf32, #tpu.memory_space<hbm>>) target(%dma_start3A_143 : memref<640x64xf32, #tpu.memory_space<vmem_shared>>) target_semaphore(%run_scoped3A : memref<!tpu.dma_semaphore, #tpu.memory_space<semaphore_mem>>)
      %dma_wait3A_146 = arith.constant 0 : i32
      %dma_wait3A_147 = tpu.memref_slice %arg9[%mul3A_57, %dma_wait3A_146] : memref<10240x64xf32, #tpu.memory_space<vmem_shared>> -> memref<640x64xf32, #tpu.memory_space<vmem_shared>>
      %dma_wait3A_148 = arith.constant 0 : i32
      %dma_wait3A_149 = tpu.memref_slice %arg4[%mul3A_55, %dma_wait3A_148] : memref<10240x64xf32, #tpu.memory_space<hbm>> -> memref<640x64xf32, #tpu.memory_space<hbm>>
      tpu.wait_dma2 semaphore(%run_scoped3A : memref<!tpu.dma_semaphore, #tpu.memory_space<semaphore_mem>>) src(%dma_wait3A_149 : memref<640x64xf32, #tpu.memory_space<hbm>>) dst(%dma_wait3A_147 : memref<640x64xf32, #tpu.memory_space<vmem_shared>>)
      tpu.yield
    }) : () -> ()
    %barrier3A = arith.constant 0 : index
    tpu.barrier barrier_id(%barrier3A)
    %scan3A = arith.constant 0 : i32
    %scan3A_58 = arith.constant 0 : i32
    %scan3A_59 = arith.constant 25 : i32
    %scan3A_60 = arith.addi %scan3A_58, %scan3A_59 : i32
    %scan3A_61 = arith.constant 1 : i32
    scf.for %scan3A_142 = %scan3A_58 to %scan3A_60 step %scan3A_61  : i32 {
      %rem3A = arith.constant 2 : i32
      %rem3A_143 = arith.remsi %scan3A_142, %rem3A : i32
      %sub3A = arith.constant 1 : i32
      %sub3A_144 = arith.subi %sub3A, %rem3A_143 : i32
      %ge3A = arith.constant 1 : i32
      %ge3A_145 = arith.cmpi sge, %scan3A_142, %ge3A : i32
      %convert_element_type3A = arith.extui %ge3A_145 : i1 to i32
      %cond3A = arith.constant 0 : i32
      %cond3A_146 = arith.cmpi ne, %convert_element_type3A, %cond3A : i32
      scf.if %cond3A_146 {
        %mul3A_333 = arith.constant 5 : i32
        %mul3A_334 = arith.muli %sub3A_144, %mul3A_333 : i32
        %add3A_335 = arith.constant 0 : i32
        %add3A_336 = arith.addi %mul3A_334, %add3A_335 : i32
        %dma_wait3A_337 = arith.constant 0 : i32
        %dma_wait3A_338 = arith.constant 0 : i32
        %dma_wait3A_339 = tpu.memref_slice %arg8[%add3A_336, %dma_wait3A_337, %dma_wait3A_338] : memref<10x80x64xf32, #tpu.memory_space<vmem>> -> memref<1x80x64xf32, #tpu.memory_space<vmem>>
        %dma_wait3A_340 = tpu.memref_squeeze %dma_wait3A_339 : memref<1x80x64xf32, #tpu.memory_space<vmem>> -> memref<80x64xf32, #tpu.memory_space<vmem>>
        %dma_wait3A_341 = arith.constant 0 : i32
        %dma_wait3A_342 = arith.constant 0 : i32
        %dma_wait3A_343 = tpu.memref_slice %arg2[%dma_wait3A_341, %dma_wait3A_342] : memref<10000x64xf32, #tpu.memory_space<hbm>> -> memref<80x64xf32, #tpu.memory_space<hbm>>
        %dma_wait3A_344 = arith.constant 0 : i32
        %dma_wait3A_345 = arith.constant 0 : i32
        %dma_wait3A_346 = tpu.memref_slice %arg8[%add3A_336, %dma_wait3A_344, %dma_wait3A_345] : memref<10x80x64xf32, #tpu.memory_space<vmem>> -> memref<1x80x64xf32, #tpu.memory_space<vmem>>
        %dma_wait3A_347 = tpu.memref_squeeze %dma_wait3A_346 : memref<1x80x64xf32, #tpu.memory_space<vmem>> -> memref<80x64xf32, #tpu.memory_space<vmem>>
        %dma_wait3A_348 = arith.constant 0 : i32
        %dma_wait3A_349 = arith.constant 0 : i32
        %dma_wait3A_350 = tpu.memref_slice %arg2[%dma_wait3A_348, %dma_wait3A_349] : memref<10000x64xf32, #tpu.memory_space<hbm>> -> memref<80x64xf32, #tpu.memory_space<hbm>>
        tpu.wait_dma2 semaphore(%arg11 : memref<!tpu.dma_semaphore, #tpu.memory_space<semaphore_mem>>) src(%dma_wait3A_350 : memref<80x64xf32, #tpu.memory_space<hbm>>) dst(%dma_wait3A_347 : memref<80x64xf32, #tpu.memory_space<vmem>>)
        %mul3A_351 = arith.constant 5 : i32
        %mul3A_352 = arith.muli %sub3A_144, %mul3A_351 : i32
        %add3A_353 = arith.constant 1 : i32
        %add3A_354 = arith.addi %mul3A_352, %add3A_353 : i32
        %dma_wait3A_355 = arith.constant 0 : i32
        %dma_wait3A_356 = arith.constant 0 : i32
        %dma_wait3A_357 = tpu.memref_slice %arg8[%add3A_354, %dma_wait3A_355, %dma_wait3A_356] : memref<10x80x64xf32, #tpu.memory_space<vmem>> -> memref<1x80x64xf32, #tpu.memory_space<vmem>>
        %dma_wait3A_358 = tpu.memref_squeeze %dma_wait3A_357 : memref<1x80x64xf32, #tpu.memory_space<vmem>> -> memref<80x64xf32, #tpu.memory_space<vmem>>
        %dma_wait3A_359 = arith.constant 0 : i32
        %dma_wait3A_360 = arith.constant 0 : i32
        %dma_wait3A_361 = tpu.memref_slice %arg2[%dma_wait3A_359, %dma_wait3A_360] : memref<10000x64xf32, #tpu.memory_space<hbm>> -> memref<80x64xf32, #tpu.memory_space<hbm>>
        %dma_wait3A_362 = arith.constant 0 : i32
        %dma_wait3A_363 = arith.constant 0 : i32
        %dma_wait3A_364 = tpu.memref_slice %arg8[%add3A_354, %dma_wait3A_362, %dma_wait3A_363] : memref<10x80x64xf32, #tpu.memory_space<vmem>> -> memref<1x80x64xf32, #tpu.memory_space<vmem>>
        %dma_wait3A_365 = tpu.memref_squeeze %dma_wait3A_364 : memref<1x80x64xf32, #tpu.memory_space<vmem>> -> memref<80x64xf32, #tpu.memory_space<vmem>>
        %dma_wait3A_366 = arith.constant 0 : i32
        %dma_wait3A_367 = arith.constant 0 : i32
        %dma_wait3A_368 = tpu.memref_slice %arg2[%dma_wait3A_366, %dma_wait3A_367] : memref<10000x64xf32, #tpu.memory_space<hbm>> -> memref<80x64xf32, #tpu.memory_space<hbm>>
        tpu.wait_dma2 semaphore(%arg11 : memref<!tpu.dma_semaphore, #tpu.memory_space<semaphore_mem>>) src(%dma_wait3A_368 : memref<80x64xf32, #tpu.memory_space<hbm>>) dst(%dma_wait3A_365 : memref<80x64xf32, #tpu.memory_space<vmem>>)
        %mul3A_369 = arith.constant 5 : i32
        %mul3A_370 = arith.muli %sub3A_144, %mul3A_369 : i32
        %add3A_371 = arith.constant 2 : i32
        %add3A_372 = arith.addi %mul3A_370, %add3A_371 : i32
        %dma_wait3A_373 = arith.constant 0 : i32
        %dma_wait3A_374 = arith.constant 0 : i32
        %dma_wait3A_375 = tpu.memref_slice %arg8[%add3A_372, %dma_wait3A_373, %dma_wait3A_374] : memref<10x80x64xf32, #tpu.memory_space<vmem>> -> memref<1x80x64xf32, #tpu.memory_space<vmem>>
        %dma_wait3A_376 = tpu.memref_squeeze %dma_wait3A_375 : memref<1x80x64xf32, #tpu.memory_space<vmem>> -> memref<80x64xf32, #tpu.memory_space<vmem>>
        %dma_wait3A_377 = arith.constant 0 : i32
        %dma_wait3A_378 = arith.constant 0 : i32
        %dma_wait3A_379 = tpu.memref_slice %arg2[%dma_wait3A_377, %dma_wait3A_378] : memref<10000x64xf32, #tpu.memory_space<hbm>> -> memref<80x64xf32, #tpu.memory_space<hbm>>
        %dma_wait3A_380 = arith.constant 0 : i32
        %dma_wait3A_381 = arith.constant 0 : i32
        %dma_wait3A_382 = tpu.memref_slice %arg8[%add3A_372, %dma_wait3A_380, %dma_wait3A_381] : memref<10x80x64xf32, #tpu.memory_space<vmem>> -> memref<1x80x64xf32, #tpu.memory_space<vmem>>
        %dma_wait3A_383 = tpu.memref_squeeze %dma_wait3A_382 : memref<1x80x64xf32, #tpu.memory_space<vmem>> -> memref<80x64xf32, #tpu.memory_space<vmem>>
        %dma_wait3A_384 = arith.constant 0 : i32
        %dma_wait3A_385 = arith.constant 0 : i32
        %dma_wait3A_386 = tpu.memref_slice %arg2[%dma_wait3A_384, %dma_wait3A_385] : memref<10000x64xf32, #tpu.memory_space<hbm>> -> memref<80x64xf32, #tpu.memory_space<hbm>>
        tpu.wait_dma2 semaphore(%arg11 : memref<!tpu.dma_semaphore, #tpu.memory_space<semaphore_mem>>) src(%dma_wait3A_386 : memref<80x64xf32, #tpu.memory_space<hbm>>) dst(%dma_wait3A_383 : memref<80x64xf32, #tpu.memory_space<vmem>>)
        %mul3A_387 = arith.constant 5 : i32
        %mul3A_388 = arith.muli %sub3A_144, %mul3A_387 : i32
        %add3A_389 = arith.constant 3 : i32
        %add3A_390 = arith.addi %mul3A_388, %add3A_389 : i32
        %dma_wait3A_391 = arith.constant 0 : i32
        %dma_wait3A_392 = arith.constant 0 : i32
        %dma_wait3A_393 = tpu.memref_slice %arg8[%add3A_390, %dma_wait3A_391, %dma_wait3A_392] : memref<10x80x64xf32, #tpu.memory_space<vmem>> -> memref<1x80x64xf32, #tpu.memory_space<vmem>>
        %dma_wait3A_394 = tpu.memref_squeeze %dma_wait3A_393 : memref<1x80x64xf32, #tpu.memory_space<vmem>> -> memref<80x64xf32, #tpu.memory_space<vmem>>
        %dma_wait3A_395 = arith.constant 0 : i32
        %dma_wait3A_396 = arith.constant 0 : i32
        %dma_wait3A_397 = tpu.memref_slice %arg2[%dma_wait3A_395, %dma_wait3A_396] : memref<10000x64xf32, #tpu.memory_space<hbm>> -> memref<80x64xf32, #tpu.memory_space<hbm>>
        %dma_wait3A_398 = arith.constant 0 : i32
        %dma_wait3A_399 = arith.constant 0 : i32
        %dma_wait3A_400 = tpu.memref_slice %arg8[%add3A_390, %dma_wait3A_398, %dma_wait3A_399] : memref<10x80x64xf32, #tpu.memory_space<vmem>> -> memref<1x80x64xf32, #tpu.memory_space<vmem>>
        %dma_wait3A_401 = tpu.memref_squeeze %dma_wait3A_400 : memref<1x80x64xf32, #tpu.memory_space<vmem>> -> memref<80x64xf32, #tpu.memory_space<vmem>>
        %dma_wait3A_402 = arith.constant 0 : i32
        %dma_wait3A_403 = arith.constant 0 : i32
        %dma_wait3A_404 = tpu.memref_slice %arg2[%dma_wait3A_402, %dma_wait3A_403] : memref<10000x64xf32, #tpu.memory_space<hbm>> -> memref<80x64xf32, #tpu.memory_space<hbm>>
        tpu.wait_dma2 semaphore(%arg11 : memref<!tpu.dma_semaphore, #tpu.memory_space<semaphore_mem>>) src(%dma_wait3A_404 : memref<80x64xf32, #tpu.memory_space<hbm>>) dst(%dma_wait3A_401 : memref<80x64xf32, #tpu.memory_space<vmem>>)
        %mul3A_405 = arith.constant 5 : i32
        %mul3A_406 = arith.muli %sub3A_144, %mul3A_405 : i32
        %add3A_407 = arith.constant 4 : i32
        %add3A_408 = arith.addi %mul3A_406, %add3A_407 : i32
        %dma_wait3A_409 = arith.constant 0 : i32
        %dma_wait3A_410 = arith.constant 0 : i32
        %dma_wait3A_411 = tpu.memref_slice %arg8[%add3A_408, %dma_wait3A_409, %dma_wait3A_410] : memref<10x80x64xf32, #tpu.memory_space<vmem>> -> memref<1x80x64xf32, #tpu.memory_space<vmem>>
        %dma_wait3A_412 = tpu.memref_squeeze %dma_wait3A_411 : memref<1x80x64xf32, #tpu.memory_space<vmem>> -> memref<80x64xf32, #tpu.memory_space<vmem>>
        %dma_wait3A_413 = arith.constant 0 : i32
        %dma_wait3A_414 = arith.constant 0 : i32
        %dma_wait3A_415 = tpu.memref_slice %arg2[%dma_wait3A_413, %dma_wait3A_414] : memref<10000x64xf32, #tpu.memory_space<hbm>> -> memref<80x64xf32, #tpu.memory_space<hbm>>
        %dma_wait3A_416 = arith.constant 0 : i32
        %dma_wait3A_417 = arith.constant 0 : i32
        %dma_wait3A_418 = tpu.memref_slice %arg8[%add3A_408, %dma_wait3A_416, %dma_wait3A_417] : memref<10x80x64xf32, #tpu.memory_space<vmem>> -> memref<1x80x64xf32, #tpu.memory_space<vmem>>
        %dma_wait3A_419 = tpu.memref_squeeze %dma_wait3A_418 : memref<1x80x64xf32, #tpu.memory_space<vmem>> -> memref<80x64xf32, #tpu.memory_space<vmem>>
        %dma_wait3A_420 = arith.constant 0 : i32
        %dma_wait3A_421 = arith.constant 0 : i32
        %dma_wait3A_422 = tpu.memref_slice %arg2[%dma_wait3A_420, %dma_wait3A_421] : memref<10000x64xf32, #tpu.memory_space<hbm>> -> memref<80x64xf32, #tpu.memory_space<hbm>>
        tpu.wait_dma2 semaphore(%arg11 : memref<!tpu.dma_semaphore, #tpu.memory_space<semaphore_mem>>) src(%dma_wait3A_422 : memref<80x64xf32, #tpu.memory_space<hbm>>) dst(%dma_wait3A_419 : memref<80x64xf32, #tpu.memory_space<vmem>>)
      } else {
      }
      %add3A_147 = arith.constant 1 : i32
      %add3A_148 = arith.addi %scan3A_142, %add3A_147 : i32
      %lt3A = arith.constant 25 : i32
      %lt3A_149 = arith.cmpi slt, %add3A_148, %lt3A : i32
      %convert_element_type3A_150 = arith.extui %lt3A_149 : i1 to i32
      %cond3A_151 = arith.constant 0 : i32
      %cond3A_152 = arith.cmpi ne, %convert_element_type3A_150, %cond3A_151 : i32
      scf.if %cond3A_152 {
        %add3A_333 = arith.constant 1 : i32
        %add3A_334 = arith.addi %scan3A_142, %add3A_333 : i32
        %mul3A_335 = arith.constant 5 : i32
        %mul3A_336 = arith.muli %add3A_334, %mul3A_335 : i32
        %add3A_337 = arith.constant 0 : i32
        %add3A_338 = arith.addi %mul3A_336, %add3A_337 : i32
        %mul3A_339 = arith.constant 5 : i32
        %mul3A_340 = arith.muli %sub3A_144, %mul3A_339 : i32
        %add3A_341 = arith.constant 0 : i32
        %add3A_342 = arith.addi %mul3A_340, %add3A_341 : i32
        %mul3A_343 = arith.constant 80 : i32
        %mul3A_344 = arith.muli %add3A_338, %mul3A_343 : i32
        %dma_start3A_345 = arith.constant 0 : i32
        %dma_start3A_346 = arith.constant 0 : i32
        %dma_start3A_347 = tpu.memref_slice %arg8[%add3A_342, %dma_start3A_345, %dma_start3A_346] : memref<10x80x64xf32, #tpu.memory_space<vmem>> -> memref<1x80x64xf32, #tpu.memory_space<vmem>>
        %dma_start3A_348 = tpu.memref_squeeze %dma_start3A_347 : memref<1x80x64xf32, #tpu.memory_space<vmem>> -> memref<80x64xf32, #tpu.memory_space<vmem>>
        %dma_start3A_349 = tpu.memref_slice %arg6[%mul3A_344] : memref<10000xi32, #tpu.memory_space<vmem>> -> memref<80xi32, #tpu.memory_space<vmem>>
        %dma_start3A_350 = arith.constant 0 : i32
        %dma_start3A_351 = arith.constant 0 : i32
        %dma_start3A_352 = tpu.memref_slice %arg2[%dma_start3A_350, %dma_start3A_351] : memref<10000x64xf32, #tpu.memory_space<hbm>> -> memref<10000x64xf32, #tpu.memory_space<hbm>>
        tpu.enqueue_indirect_dma source(%dma_start3A_352 : memref<10000x64xf32, #tpu.memory_space<hbm>>) target(%dma_start3A_348 : memref<80x64xf32, #tpu.memory_space<vmem>>) offsets(%dma_start3A_349 : memref<80xi32, #tpu.memory_space<vmem>>) semaphore(%arg10 : memref<!tpu.dma_semaphore, #tpu.memory_space<semaphore_mem>>)
        %add3A_353 = arith.constant 1 : i32
        %add3A_354 = arith.addi %scan3A_142, %add3A_353 : i32
        %mul3A_355 = arith.constant 5 : i32
        %mul3A_356 = arith.muli %add3A_354, %mul3A_355 : i32
        %add3A_357 = arith.constant 1 : i32
        %add3A_358 = arith.addi %mul3A_356, %add3A_357 : i32
        %mul3A_359 = arith.constant 5 : i32
        %mul3A_360 = arith.muli %sub3A_144, %mul3A_359 : i32
        %add3A_361 = arith.constant 1 : i32
        %add3A_362 = arith.addi %mul3A_360, %add3A_361 : i32
        %mul3A_363 = arith.constant 80 : i32
        %mul3A_364 = arith.muli %add3A_358, %mul3A_363 : i32
        %dma_start3A_365 = arith.constant 0 : i32
        %dma_start3A_366 = arith.constant 0 : i32
        %dma_start3A_367 = tpu.memref_slice %arg8[%add3A_362, %dma_start3A_365, %dma_start3A_366] : memref<10x80x64xf32, #tpu.memory_space<vmem>> -> memref<1x80x64xf32, #tpu.memory_space<vmem>>
        %dma_start3A_368 = tpu.memref_squeeze %dma_start3A_367 : memref<1x80x64xf32, #tpu.memory_space<vmem>> -> memref<80x64xf32, #tpu.memory_space<vmem>>
        %dma_start3A_369 = tpu.memref_slice %arg6[%mul3A_364] : memref<10000xi32, #tpu.memory_space<vmem>> -> memref<80xi32, #tpu.memory_space<vmem>>
        %dma_start3A_370 = arith.constant 0 : i32
        %dma_start3A_371 = arith.constant 0 : i32
        %dma_start3A_372 = tpu.memref_slice %arg2[%dma_start3A_370, %dma_start3A_371] : memref<10000x64xf32, #tpu.memory_space<hbm>> -> memref<10000x64xf32, #tpu.memory_space<hbm>>
        tpu.enqueue_indirect_dma source(%dma_start3A_372 : memref<10000x64xf32, #tpu.memory_space<hbm>>) target(%dma_start3A_368 : memref<80x64xf32, #tpu.memory_space<vmem>>) offsets(%dma_start3A_369 : memref<80xi32, #tpu.memory_space<vmem>>) semaphore(%arg10 : memref<!tpu.dma_semaphore, #tpu.memory_space<semaphore_mem>>)
        %add3A_373 = arith.constant 1 : i32
        %add3A_374 = arith.addi %scan3A_142, %add3A_373 : i32
        %mul3A_375 = arith.constant 5 : i32
        %mul3A_376 = arith.muli %add3A_374, %mul3A_375 : i32
        %add3A_377 = arith.constant 2 : i32
        %add3A_378 = arith.addi %mul3A_376, %add3A_377 : i32
        %mul3A_379 = arith.constant 5 : i32
        %mul3A_380 = arith.muli %sub3A_144, %mul3A_379 : i32
        %add3A_381 = arith.constant 2 : i32
        %add3A_382 = arith.addi %mul3A_380, %add3A_381 : i32
        %mul3A_383 = arith.constant 80 : i32
        %mul3A_384 = arith.muli %add3A_378, %mul3A_383 : i32
        %dma_start3A_385 = arith.constant 0 : i32
        %dma_start3A_386 = arith.constant 0 : i32
        %dma_start3A_387 = tpu.memref_slice %arg8[%add3A_382, %dma_start3A_385, %dma_start3A_386] : memref<10x80x64xf32, #tpu.memory_space<vmem>> -> memref<1x80x64xf32, #tpu.memory_space<vmem>>
        %dma_start3A_388 = tpu.memref_squeeze %dma_start3A_387 : memref<1x80x64xf32, #tpu.memory_space<vmem>> -> memref<80x64xf32, #tpu.memory_space<vmem>>
        %dma_start3A_389 = tpu.memref_slice %arg6[%mul3A_384] : memref<10000xi32, #tpu.memory_space<vmem>> -> memref<80xi32, #tpu.memory_space<vmem>>
        %dma_start3A_390 = arith.constant 0 : i32
        %dma_start3A_391 = arith.constant 0 : i32
        %dma_start3A_392 = tpu.memref_slice %arg2[%dma_start3A_390, %dma_start3A_391] : memref<10000x64xf32, #tpu.memory_space<hbm>> -> memref<10000x64xf32, #tpu.memory_space<hbm>>
        tpu.enqueue_indirect_dma source(%dma_start3A_392 : memref<10000x64xf32, #tpu.memory_space<hbm>>) target(%dma_start3A_388 : memref<80x64xf32, #tpu.memory_space<vmem>>) offsets(%dma_start3A_389 : memref<80xi32, #tpu.memory_space<vmem>>) semaphore(%arg10 : memref<!tpu.dma_semaphore, #tpu.memory_space<semaphore_mem>>)
        %add3A_393 = arith.constant 1 : i32
        %add3A_394 = arith.addi %scan3A_142, %add3A_393 : i32
        %mul3A_395 = arith.constant 5 : i32
        %mul3A_396 = arith.muli %add3A_394, %mul3A_395 : i32
        %add3A_397 = arith.constant 3 : i32
        %add3A_398 = arith.addi %mul3A_396, %add3A_397 : i32
        %mul3A_399 = arith.constant 5 : i32
        %mul3A_400 = arith.muli %sub3A_144, %mul3A_399 : i32
        %add3A_401 = arith.constant 3 : i32
        %add3A_402 = arith.addi %mul3A_400, %add3A_401 : i32
        %mul3A_403 = arith.constant 80 : i32
        %mul3A_404 = arith.muli %add3A_398, %mul3A_403 : i32
        %dma_start3A_405 = arith.constant 0 : i32
        %dma_start3A_406 = arith.constant 0 : i32
        %dma_start3A_407 = tpu.memref_slice %arg8[%add3A_402, %dma_start3A_405, %dma_start3A_406] : memref<10x80x64xf32, #tpu.memory_space<vmem>> -> memref<1x80x64xf32, #tpu.memory_space<vmem>>
        %dma_start3A_408 = tpu.memref_squeeze %dma_start3A_407 : memref<1x80x64xf32, #tpu.memory_space<vmem>> -> memref<80x64xf32, #tpu.memory_space<vmem>>
        %dma_start3A_409 = tpu.memref_slice %arg6[%mul3A_404] : memref<10000xi32, #tpu.memory_space<vmem>> -> memref<80xi32, #tpu.memory_space<vmem>>
        %dma_start3A_410 = arith.constant 0 : i32
        %dma_start3A_411 = arith.constant 0 : i32
        %dma_start3A_412 = tpu.memref_slice %arg2[%dma_start3A_410, %dma_start3A_411] : memref<10000x64xf32, #tpu.memory_space<hbm>> -> memref<10000x64xf32, #tpu.memory_space<hbm>>
        tpu.enqueue_indirect_dma source(%dma_start3A_412 : memref<10000x64xf32, #tpu.memory_space<hbm>>) target(%dma_start3A_408 : memref<80x64xf32, #tpu.memory_space<vmem>>) offsets(%dma_start3A_409 : memref<80xi32, #tpu.memory_space<vmem>>) semaphore(%arg10 : memref<!tpu.dma_semaphore, #tpu.memory_space<semaphore_mem>>)
        %add3A_413 = arith.constant 1 : i32
        %add3A_414 = arith.addi %scan3A_142, %add3A_413 : i32
        %mul3A_415 = arith.constant 5 : i32
        %mul3A_416 = arith.muli %add3A_414, %mul3A_415 : i32
        %add3A_417 = arith.constant 4 : i32
        %add3A_418 = arith.addi %mul3A_416, %add3A_417 : i32
        %mul3A_419 = arith.constant 5 : i32
        %mul3A_420 = arith.muli %sub3A_144, %mul3A_419 : i32
        %add3A_421 = arith.constant 4 : i32
        %add3A_422 = arith.addi %mul3A_420, %add3A_421 : i32
        %mul3A_423 = arith.constant 80 : i32
        %mul3A_424 = arith.muli %add3A_418, %mul3A_423 : i32
        %dma_start3A_425 = arith.constant 0 : i32
        %dma_start3A_426 = arith.constant 0 : i32
        %dma_start3A_427 = tpu.memref_slice %arg8[%add3A_422, %dma_start3A_425, %dma_start3A_426] : memref<10x80x64xf32, #tpu.memory_space<vmem>> -> memref<1x80x64xf32, #tpu.memory_space<vmem>>
        %dma_start3A_428 = tpu.memref_squeeze %dma_start3A_427 : memref<1x80x64xf32, #tpu.memory_space<vmem>> -> memref<80x64xf32, #tpu.memory_space<vmem>>
        %dma_start3A_429 = tpu.memref_slice %arg6[%mul3A_424] : memref<10000xi32, #tpu.memory_space<vmem>> -> memref<80xi32, #tpu.memory_space<vmem>>
        %dma_start3A_430 = arith.constant 0 : i32
        %dma_start3A_431 = arith.constant 0 : i32
        %dma_start3A_432 = tpu.memref_slice %arg2[%dma_start3A_430, %dma_start3A_431] : memref<10000x64xf32, #tpu.memory_space<hbm>> -> memref<10000x64xf32, #tpu.memory_space<hbm>>
        tpu.enqueue_indirect_dma source(%dma_start3A_432 : memref<10000x64xf32, #tpu.memory_space<hbm>>) target(%dma_start3A_428 : memref<80x64xf32, #tpu.memory_space<vmem>>) offsets(%dma_start3A_429 : memref<80xi32, #tpu.memory_space<vmem>>) semaphore(%arg10 : memref<!tpu.dma_semaphore, #tpu.memory_space<semaphore_mem>>)
      } else {
      }
      %mul3A_153 = arith.constant 5 : i32
      %mul3A_154 = arith.muli %rem3A_143, %mul3A_153 : i32
      %add3A_155 = arith.constant 0 : i32
      %add3A_156 = arith.addi %mul3A_154, %add3A_155 : i32
      %dma_wait3A_157 = arith.constant 0 : i32
      %dma_wait3A_158 = arith.constant 0 : i32
      %dma_wait3A_159 = tpu.memref_slice %arg8[%add3A_156, %dma_wait3A_157, %dma_wait3A_158] : memref<10x80x64xf32, #tpu.memory_space<vmem>> -> memref<1x80x64xf32, #tpu.memory_space<vmem>>
      %dma_wait3A_160 = tpu.memref_squeeze %dma_wait3A_159 : memref<1x80x64xf32, #tpu.memory_space<vmem>> -> memref<80x64xf32, #tpu.memory_space<vmem>>
      %dma_wait3A_161 = arith.constant 0 : i32
      %dma_wait3A_162 = arith.constant 0 : i32
      %dma_wait3A_163 = tpu.memref_slice %arg2[%dma_wait3A_161, %dma_wait3A_162] : memref<10000x64xf32, #tpu.memory_space<hbm>> -> memref<80x64xf32, #tpu.memory_space<hbm>>
      %dma_wait3A_164 = arith.constant 0 : i32
      %dma_wait3A_165 = arith.constant 0 : i32
      %dma_wait3A_166 = tpu.memref_slice %arg8[%add3A_156, %dma_wait3A_164, %dma_wait3A_165] : memref<10x80x64xf32, #tpu.memory_space<vmem>> -> memref<1x80x64xf32, #tpu.memory_space<vmem>>
      %dma_wait3A_167 = tpu.memref_squeeze %dma_wait3A_166 : memref<1x80x64xf32, #tpu.memory_space<vmem>> -> memref<80x64xf32, #tpu.memory_space<vmem>>
      %dma_wait3A_168 = arith.constant 0 : i32
      %dma_wait3A_169 = arith.constant 0 : i32
      %dma_wait3A_170 = tpu.memref_slice %arg2[%dma_wait3A_168, %dma_wait3A_169] : memref<10000x64xf32, #tpu.memory_space<hbm>> -> memref<80x64xf32, #tpu.memory_space<hbm>>
      tpu.wait_dma2 semaphore(%arg10 : memref<!tpu.dma_semaphore, #tpu.memory_space<semaphore_mem>>) src(%dma_wait3A_170 : memref<80x64xf32, #tpu.memory_space<hbm>>) dst(%dma_wait3A_167 : memref<80x64xf32, #tpu.memory_space<vmem>>)
      %mul3A_171 = arith.constant 5 : i32
      %mul3A_172 = arith.muli %rem3A_143, %mul3A_171 : i32
      %add3A_173 = arith.constant 1 : i32
      %add3A_174 = arith.addi %mul3A_172, %add3A_173 : i32
      %dma_wait3A_175 = arith.constant 0 : i32
      %dma_wait3A_176 = arith.constant 0 : i32
      %dma_wait3A_177 = tpu.memref_slice %arg8[%add3A_174, %dma_wait3A_175, %dma_wait3A_176] : memref<10x80x64xf32, #tpu.memory_space<vmem>> -> memref<1x80x64xf32, #tpu.memory_space<vmem>>
      %dma_wait3A_178 = tpu.memref_squeeze %dma_wait3A_177 : memref<1x80x64xf32, #tpu.memory_space<vmem>> -> memref<80x64xf32, #tpu.memory_space<vmem>>
      %dma_wait3A_179 = arith.constant 0 : i32
      %dma_wait3A_180 = arith.constant 0 : i32
      %dma_wait3A_181 = tpu.memref_slice %arg2[%dma_wait3A_179, %dma_wait3A_180] : memref<10000x64xf32, #tpu.memory_space<hbm>> -> memref<80x64xf32, #tpu.memory_space<hbm>>
      %dma_wait3A_182 = arith.constant 0 : i32
      %dma_wait3A_183 = arith.constant 0 : i32
      %dma_wait3A_184 = tpu.memref_slice %arg8[%add3A_174, %dma_wait3A_182, %dma_wait3A_183] : memref<10x80x64xf32, #tpu.memory_space<vmem>> -> memref<1x80x64xf32, #tpu.memory_space<vmem>>
      %dma_wait3A_185 = tpu.memref_squeeze %dma_wait3A_184 : memref<1x80x64xf32, #tpu.memory_space<vmem>> -> memref<80x64xf32, #tpu.memory_space<vmem>>
      %dma_wait3A_186 = arith.constant 0 : i32
      %dma_wait3A_187 = arith.constant 0 : i32
      %dma_wait3A_188 = tpu.memref_slice %arg2[%dma_wait3A_186, %dma_wait3A_187] : memref<10000x64xf32, #tpu.memory_space<hbm>> -> memref<80x64xf32, #tpu.memory_space<hbm>>
      tpu.wait_dma2 semaphore(%arg10 : memref<!tpu.dma_semaphore, #tpu.memory_space<semaphore_mem>>) src(%dma_wait3A_188 : memref<80x64xf32, #tpu.memory_space<hbm>>) dst(%dma_wait3A_185 : memref<80x64xf32, #tpu.memory_space<vmem>>)
      %mul3A_189 = arith.constant 5 : i32
      %mul3A_190 = arith.muli %rem3A_143, %mul3A_189 : i32
      %add3A_191 = arith.constant 2 : i32
      %add3A_192 = arith.addi %mul3A_190, %add3A_191 : i32
      %dma_wait3A_193 = arith.constant 0 : i32
      %dma_wait3A_194 = arith.constant 0 : i32
      %dma_wait3A_195 = tpu.memref_slice %arg8[%add3A_192, %dma_wait3A_193, %dma_wait3A_194] : memref<10x80x64xf32, #tpu.memory_space<vmem>> -> memref<1x80x64xf32, #tpu.memory_space<vmem>>
      %dma_wait3A_196 = tpu.memref_squeeze %dma_wait3A_195 : memref<1x80x64xf32, #tpu.memory_space<vmem>> -> memref<80x64xf32, #tpu.memory_space<vmem>>
      %dma_wait3A_197 = arith.constant 0 : i32
      %dma_wait3A_198 = arith.constant 0 : i32
      %dma_wait3A_199 = tpu.memref_slice %arg2[%dma_wait3A_197, %dma_wait3A_198] : memref<10000x64xf32, #tpu.memory_space<hbm>> -> memref<80x64xf32, #tpu.memory_space<hbm>>
      %dma_wait3A_200 = arith.constant 0 : i32
      %dma_wait3A_201 = arith.constant 0 : i32
      %dma_wait3A_202 = tpu.memref_slice %arg8[%add3A_192, %dma_wait3A_200, %dma_wait3A_201] : memref<10x80x64xf32, #tpu.memory_space<vmem>> -> memref<1x80x64xf32, #tpu.memory_space<vmem>>
      %dma_wait3A_203 = tpu.memref_squeeze %dma_wait3A_202 : memref<1x80x64xf32, #tpu.memory_space<vmem>> -> memref<80x64xf32, #tpu.memory_space<vmem>>
      %dma_wait3A_204 = arith.constant 0 : i32
      %dma_wait3A_205 = arith.constant 0 : i32
      %dma_wait3A_206 = tpu.memref_slice %arg2[%dma_wait3A_204, %dma_wait3A_205] : memref<10000x64xf32, #tpu.memory_space<hbm>> -> memref<80x64xf32, #tpu.memory_space<hbm>>
      tpu.wait_dma2 semaphore(%arg10 : memref<!tpu.dma_semaphore, #tpu.memory_space<semaphore_mem>>) src(%dma_wait3A_206 : memref<80x64xf32, #tpu.memory_space<hbm>>) dst(%dma_wait3A_203 : memref<80x64xf32, #tpu.memory_space<vmem>>)
      %mul3A_207 = arith.constant 5 : i32
      %mul3A_208 = arith.muli %rem3A_143, %mul3A_207 : i32
      %add3A_209 = arith.constant 3 : i32
      %add3A_210 = arith.addi %mul3A_208, %add3A_209 : i32
      %dma_wait3A_211 = arith.constant 0 : i32
      %dma_wait3A_212 = arith.constant 0 : i32
      %dma_wait3A_213 = tpu.memref_slice %arg8[%add3A_210, %dma_wait3A_211, %dma_wait3A_212] : memref<10x80x64xf32, #tpu.memory_space<vmem>> -> memref<1x80x64xf32, #tpu.memory_space<vmem>>
      %dma_wait3A_214 = tpu.memref_squeeze %dma_wait3A_213 : memref<1x80x64xf32, #tpu.memory_space<vmem>> -> memref<80x64xf32, #tpu.memory_space<vmem>>
      %dma_wait3A_215 = arith.constant 0 : i32
      %dma_wait3A_216 = arith.constant 0 : i32
      %dma_wait3A_217 = tpu.memref_slice %arg2[%dma_wait3A_215, %dma_wait3A_216] : memref<10000x64xf32, #tpu.memory_space<hbm>> -> memref<80x64xf32, #tpu.memory_space<hbm>>
      %dma_wait3A_218 = arith.constant 0 : i32
      %dma_wait3A_219 = arith.constant 0 : i32
      %dma_wait3A_220 = tpu.memref_slice %arg8[%add3A_210, %dma_wait3A_218, %dma_wait3A_219] : memref<10x80x64xf32, #tpu.memory_space<vmem>> -> memref<1x80x64xf32, #tpu.memory_space<vmem>>
      %dma_wait3A_221 = tpu.memref_squeeze %dma_wait3A_220 : memref<1x80x64xf32, #tpu.memory_space<vmem>> -> memref<80x64xf32, #tpu.memory_space<vmem>>
      %dma_wait3A_222 = arith.constant 0 : i32
      %dma_wait3A_223 = arith.constant 0 : i32
      %dma_wait3A_224 = tpu.memref_slice %arg2[%dma_wait3A_222, %dma_wait3A_223] : memref<10000x64xf32, #tpu.memory_space<hbm>> -> memref<80x64xf32, #tpu.memory_space<hbm>>
      tpu.wait_dma2 semaphore(%arg10 : memref<!tpu.dma_semaphore, #tpu.memory_space<semaphore_mem>>) src(%dma_wait3A_224 : memref<80x64xf32, #tpu.memory_space<hbm>>) dst(%dma_wait3A_221 : memref<80x64xf32, #tpu.memory_space<vmem>>)
      %mul3A_225 = arith.constant 5 : i32
      %mul3A_226 = arith.muli %rem3A_143, %mul3A_225 : i32
      %add3A_227 = arith.constant 4 : i32
      %add3A_228 = arith.addi %mul3A_226, %add3A_227 : i32
      %dma_wait3A_229 = arith.constant 0 : i32
      %dma_wait3A_230 = arith.constant 0 : i32
      %dma_wait3A_231 = tpu.memref_slice %arg8[%add3A_228, %dma_wait3A_229, %dma_wait3A_230] : memref<10x80x64xf32, #tpu.memory_space<vmem>> -> memref<1x80x64xf32, #tpu.memory_space<vmem>>
      %dma_wait3A_232 = tpu.memref_squeeze %dma_wait3A_231 : memref<1x80x64xf32, #tpu.memory_space<vmem>> -> memref<80x64xf32, #tpu.memory_space<vmem>>
      %dma_wait3A_233 = arith.constant 0 : i32
      %dma_wait3A_234 = arith.constant 0 : i32
      %dma_wait3A_235 = tpu.memref_slice %arg2[%dma_wait3A_233, %dma_wait3A_234] : memref<10000x64xf32, #tpu.memory_space<hbm>> -> memref<80x64xf32, #tpu.memory_space<hbm>>
      %dma_wait3A_236 = arith.constant 0 : i32
      %dma_wait3A_237 = arith.constant 0 : i32
      %dma_wait3A_238 = tpu.memref_slice %arg8[%add3A_228, %dma_wait3A_236, %dma_wait3A_237] : memref<10x80x64xf32, #tpu.memory_space<vmem>> -> memref<1x80x64xf32, #tpu.memory_space<vmem>>
      %dma_wait3A_239 = tpu.memref_squeeze %dma_wait3A_238 : memref<1x80x64xf32, #tpu.memory_space<vmem>> -> memref<80x64xf32, #tpu.memory_space<vmem>>
      %dma_wait3A_240 = arith.constant 0 : i32
      %dma_wait3A_241 = arith.constant 0 : i32
      %dma_wait3A_242 = tpu.memref_slice %arg2[%dma_wait3A_240, %dma_wait3A_241] : memref<10000x64xf32, #tpu.memory_space<hbm>> -> memref<80x64xf32, #tpu.memory_space<hbm>>
      tpu.wait_dma2 semaphore(%arg10 : memref<!tpu.dma_semaphore, #tpu.memory_space<semaphore_mem>>) src(%dma_wait3A_242 : memref<80x64xf32, #tpu.memory_space<hbm>>) dst(%dma_wait3A_239 : memref<80x64xf32, #tpu.memory_space<vmem>>)
      %mul3A_243 = arith.constant 5 : i32
      %mul3A_244 = arith.muli %scan3A_142, %mul3A_243 : i32
      %add3A_245 = arith.constant 0 : i32
      %add3A_246 = arith.addi %mul3A_244, %add3A_245 : i32
      %mul3A_247 = arith.constant 5 : i32
      %mul3A_248 = arith.muli %rem3A_143, %mul3A_247 : i32
      %add3A_249 = arith.constant 0 : i32
      %add3A_250 = arith.addi %mul3A_248, %add3A_249 : i32
      %mul3A_251 = arith.constant 80 : i32
      %mul3A_252 = arith.muli %add3A_246, %mul3A_251 : i32
      %dma_start3A_253 = arith.constant 0 : i32
      %dma_start3A_254 = arith.constant 0 : i32
      %dma_start3A_255 = tpu.memref_slice %arg8[%add3A_250, %dma_start3A_253, %dma_start3A_254] : memref<10x80x64xf32, #tpu.memory_space<vmem>> -> memref<1x80x64xf32, #tpu.memory_space<vmem>>
      %dma_start3A_256 = tpu.memref_squeeze %dma_start3A_255 : memref<1x80x64xf32, #tpu.memory_space<vmem>> -> memref<80x64xf32, #tpu.memory_space<vmem>>
      %dma_start3A_257 = tpu.memref_slice %arg7[%mul3A_252] : memref<10000xi32, #tpu.memory_space<vmem>> -> memref<80xi32, #tpu.memory_space<vmem>>
      %dma_start3A_258 = arith.constant 0 : i32
      %dma_start3A_259 = arith.constant 0 : i32
      %dma_start3A_260 = tpu.memref_slice %arg9[%dma_start3A_258, %dma_start3A_259] : memref<10240x64xf32, #tpu.memory_space<vmem_shared>> -> memref<10240x64xf32, #tpu.memory_space<vmem_shared>>
      tpu.enqueue_indirect_dma source(%dma_start3A_256 : memref<80x64xf32, #tpu.memory_space<vmem>>) target(%dma_start3A_260 : memref<10240x64xf32, #tpu.memory_space<vmem_shared>>) offsets(%dma_start3A_257 : memref<80xi32, #tpu.memory_space<vmem>>) semaphore(%arg11 : memref<!tpu.dma_semaphore, #tpu.memory_space<semaphore_mem>>) {add = true}
      %mul3A_261 = arith.constant 5 : i32
      %mul3A_262 = arith.muli %scan3A_142, %mul3A_261 : i32
      %add3A_263 = arith.constant 1 : i32
      %add3A_264 = arith.addi %mul3A_262, %add3A_263 : i32
      %mul3A_265 = arith.constant 5 : i32
      %mul3A_266 = arith.muli %rem3A_143, %mul3A_265 : i32
      %add3A_267 = arith.constant 1 : i32
      %add3A_268 = arith.addi %mul3A_266, %add3A_267 : i32
      %mul3A_269 = arith.constant 80 : i32
      %mul3A_270 = arith.muli %add3A_264, %mul3A_269 : i32
      %dma_start3A_271 = arith.constant 0 : i32
      %dma_start3A_272 = arith.constant 0 : i32
      %dma_start3A_273 = tpu.memref_slice %arg8[%add3A_268, %dma_start3A_271, %dma_start3A_272] : memref<10x80x64xf32, #tpu.memory_space<vmem>> -> memref<1x80x64xf32, #tpu.memory_space<vmem>>
      %dma_start3A_274 = tpu.memref_squeeze %dma_start3A_273 : memref<1x80x64xf32, #tpu.memory_space<vmem>> -> memref<80x64xf32, #tpu.memory_space<vmem>>
      %dma_start3A_275 = tpu.memref_slice %arg7[%mul3A_270] : memref<10000xi32, #tpu.memory_space<vmem>> -> memref<80xi32, #tpu.memory_space<vmem>>
      %dma_start3A_276 = arith.constant 0 : i32
      %dma_start3A_277 = arith.constant 0 : i32
      %dma_start3A_278 = tpu.memref_slice %arg9[%dma_start3A_276, %dma_start3A_277] : memref<10240x64xf32, #tpu.memory_space<vmem_shared>> -> memref<10240x64xf32, #tpu.memory_space<vmem_shared>>
      tpu.enqueue_indirect_dma source(%dma_start3A_274 : memref<80x64xf32, #tpu.memory_space<vmem>>) target(%dma_start3A_278 : memref<10240x64xf32, #tpu.memory_space<vmem_shared>>) offsets(%dma_start3A_275 : memref<80xi32, #tpu.memory_space<vmem>>) semaphore(%arg11 : memref<!tpu.dma_semaphore, #tpu.memory_space<semaphore_mem>>) {add = true}
      %mul3A_279 = arith.constant 5 : i32
      %mul3A_280 = arith.muli %scan3A_142, %mul3A_279 : i32
      %add3A_281 = arith.constant 2 : i32
      %add3A_282 = arith.addi %mul3A_280, %add3A_281 : i32
      %mul3A_283 = arith.constant 5 : i32
      %mul3A_284 = arith.muli %rem3A_143, %mul3A_283 : i32
      %add3A_285 = arith.constant 2 : i32
      %add3A_286 = arith.addi %mul3A_284, %add3A_285 : i32
      %mul3A_287 = arith.constant 80 : i32
      %mul3A_288 = arith.muli %add3A_282, %mul3A_287 : i32
      %dma_start3A_289 = arith.constant 0 : i32
      %dma_start3A_290 = arith.constant 0 : i32
      %dma_start3A_291 = tpu.memref_slice %arg8[%add3A_286, %dma_start3A_289, %dma_start3A_290] : memref<10x80x64xf32, #tpu.memory_space<vmem>> -> memref<1x80x64xf32, #tpu.memory_space<vmem>>
      %dma_start3A_292 = tpu.memref_squeeze %dma_start3A_291 : memref<1x80x64xf32, #tpu.memory_space<vmem>> -> memref<80x64xf32, #tpu.memory_space<vmem>>
      %dma_start3A_293 = tpu.memref_slice %arg7[%mul3A_288] : memref<10000xi32, #tpu.memory_space<vmem>> -> memref<80xi32, #tpu.memory_space<vmem>>
      %dma_start3A_294 = arith.constant 0 : i32
      %dma_start3A_295 = arith.constant 0 : i32
      %dma_start3A_296 = tpu.memref_slice %arg9[%dma_start3A_294, %dma_start3A_295] : memref<10240x64xf32, #tpu.memory_space<vmem_shared>> -> memref<10240x64xf32, #tpu.memory_space<vmem_shared>>
      tpu.enqueue_indirect_dma source(%dma_start3A_292 : memref<80x64xf32, #tpu.memory_space<vmem>>) target(%dma_start3A_296 : memref<10240x64xf32, #tpu.memory_space<vmem_shared>>) offsets(%dma_start3A_293 : memref<80xi32, #tpu.memory_space<vmem>>) semaphore(%arg11 : memref<!tpu.dma_semaphore, #tpu.memory_space<semaphore_mem>>) {add = true}
      %mul3A_297 = arith.constant 5 : i32
      %mul3A_298 = arith.muli %scan3A_142, %mul3A_297 : i32
      %add3A_299 = arith.constant 3 : i32
      %add3A_300 = arith.addi %mul3A_298, %add3A_299 : i32
      %mul3A_301 = arith.constant 5 : i32
      %mul3A_302 = arith.muli %rem3A_143, %mul3A_301 : i32
      %add3A_303 = arith.constant 3 : i32
      %add3A_304 = arith.addi %mul3A_302, %add3A_303 : i32
      %mul3A_305 = arith.constant 80 : i32
      %mul3A_306 = arith.muli %add3A_300, %mul3A_305 : i32
      %dma_start3A_307 = arith.constant 0 : i32
      %dma_start3A_308 = arith.constant 0 : i32
      %dma_start3A_309 = tpu.memref_slice %arg8[%add3A_304, %dma_start3A_307, %dma_start3A_308] : memref<10x80x64xf32, #tpu.memory_space<vmem>> -> memref<1x80x64xf32, #tpu.memory_space<vmem>>
      %dma_start3A_310 = tpu.memref_squeeze %dma_start3A_309 : memref<1x80x64xf32, #tpu.memory_space<vmem>> -> memref<80x64xf32, #tpu.memory_space<vmem>>
      %dma_start3A_311 = tpu.memref_slice %arg7[%mul3A_306] : memref<10000xi32, #tpu.memory_space<vmem>> -> memref<80xi32, #tpu.memory_space<vmem>>
      %dma_start3A_312 = arith.constant 0 : i32
      %dma_start3A_313 = arith.constant 0 : i32
      %dma_start3A_314 = tpu.memref_slice %arg9[%dma_start3A_312, %dma_start3A_313] : memref<10240x64xf32, #tpu.memory_space<vmem_shared>> -> memref<10240x64xf32, #tpu.memory_space<vmem_shared>>
      tpu.enqueue_indirect_dma source(%dma_start3A_310 : memref<80x64xf32, #tpu.memory_space<vmem>>) target(%dma_start3A_314 : memref<10240x64xf32, #tpu.memory_space<vmem_shared>>) offsets(%dma_start3A_311 : memref<80xi32, #tpu.memory_space<vmem>>) semaphore(%arg11 : memref<!tpu.dma_semaphore, #tpu.memory_space<semaphore_mem>>) {add = true}
      %mul3A_315 = arith.constant 5 : i32
      %mul3A_316 = arith.muli %scan3A_142, %mul3A_315 : i32
      %add3A_317 = arith.constant 4 : i32
      %add3A_318 = arith.addi %mul3A_316, %add3A_317 : i32
      %mul3A_319 = arith.constant 5 : i32
      %mul3A_320 = arith.muli %rem3A_143, %mul3A_319 : i32
      %add3A_321 = arith.constant 4 : i32
      %add3A_322 = arith.addi %mul3A_320, %add3A_321 : i32
      %mul3A_323 = arith.constant 80 : i32
      %mul3A_324 = arith.muli %add3A_318, %mul3A_323 : i32
      %dma_start3A_325 = arith.constant 0 : i32
      %dma_start3A_326 = arith.constant 0 : i32
      %dma_start3A_327 = tpu.memref_slice %arg8[%add3A_322, %dma_start3A_325, %dma_start3A_326] : memref<10x80x64xf32, #tpu.memory_space<vmem>> -> memref<1x80x64xf32, #tpu.memory_space<vmem>>
      %dma_start3A_328 = tpu.memref_squeeze %dma_start3A_327 : memref<1x80x64xf32, #tpu.memory_space<vmem>> -> memref<80x64xf32, #tpu.memory_space<vmem>>
      %dma_start3A_329 = tpu.memref_slice %arg7[%mul3A_324] : memref<10000xi32, #tpu.memory_space<vmem>> -> memref<80xi32, #tpu.memory_space<vmem>>
      %dma_start3A_330 = arith.constant 0 : i32
      %dma_start3A_331 = arith.constant 0 : i32
      %dma_start3A_332 = tpu.memref_slice %arg9[%dma_start3A_330, %dma_start3A_331] : memref<10240x64xf32, #tpu.memory_space<vmem_shared>> -> memref<10240x64xf32, #tpu.memory_space<vmem_shared>>
      tpu.enqueue_indirect_dma source(%dma_start3A_328 : memref<80x64xf32, #tpu.memory_space<vmem>>) target(%dma_start3A_332 : memref<10240x64xf32, #tpu.memory_space<vmem_shared>>) offsets(%dma_start3A_329 : memref<80xi32, #tpu.memory_space<vmem>>) semaphore(%arg11 : memref<!tpu.dma_semaphore, #tpu.memory_space<semaphore_mem>>) {add = true}
    }
    %scan3A_62 = arith.constant 25 : i32
    %dma_wait3A = arith.constant 0 : i32
    %dma_wait3A_63 = arith.constant 0 : i32
    %dma_wait3A_64 = arith.constant 0 : i32
    %dma_wait3A_65 = tpu.memref_slice %arg8[%dma_wait3A, %dma_wait3A_63, %dma_wait3A_64] : memref<10x80x64xf32, #tpu.memory_space<vmem>> -> memref<1x80x64xf32, #tpu.memory_space<vmem>>
    %dma_wait3A_66 = tpu.memref_squeeze %dma_wait3A_65 : memref<1x80x64xf32, #tpu.memory_space<vmem>> -> memref<80x64xf32, #tpu.memory_space<vmem>>
    %dma_wait3A_67 = arith.constant 0 : i32
    %dma_wait3A_68 = arith.constant 0 : i32
    %dma_wait3A_69 = tpu.memref_slice %arg2[%dma_wait3A_67, %dma_wait3A_68] : memref<10000x64xf32, #tpu.memory_space<hbm>> -> memref<80x64xf32, #tpu.memory_space<hbm>>
    %dma_wait3A_70 = arith.constant 0 : i32
    %dma_wait3A_71 = arith.constant 0 : i32
    %dma_wait3A_72 = tpu.memref_slice %arg8[%dma_wait3A, %dma_wait3A_70, %dma_wait3A_71] : memref<10x80x64xf32, #tpu.memory_space<vmem>> -> memref<1x80x64xf32, #tpu.memory_space<vmem>>
    %dma_wait3A_73 = tpu.memref_squeeze %dma_wait3A_72 : memref<1x80x64xf32, #tpu.memory_space<vmem>> -> memref<80x64xf32, #tpu.memory_space<vmem>>
    %dma_wait3A_74 = arith.constant 0 : i32
    %dma_wait3A_75 = arith.constant 0 : i32
    %dma_wait3A_76 = tpu.memref_slice %arg2[%dma_wait3A_74, %dma_wait3A_75] : memref<10000x64xf32, #tpu.memory_space<hbm>> -> memref<80x64xf32, #tpu.memory_space<hbm>>
    tpu.wait_dma2 semaphore(%arg11 : memref<!tpu.dma_semaphore, #tpu.memory_space<semaphore_mem>>) src(%dma_wait3A_76 : memref<80x64xf32, #tpu.memory_space<hbm>>) dst(%dma_wait3A_73 : memref<80x64xf32, #tpu.memory_space<vmem>>)
    %dma_wait3A_77 = arith.constant 1 : i32
    %dma_wait3A_78 = arith.constant 0 : i32
    %dma_wait3A_79 = arith.constant 0 : i32
    %dma_wait3A_80 = tpu.memref_slice %arg8[%dma_wait3A_77, %dma_wait3A_78, %dma_wait3A_79] : memref<10x80x64xf32, #tpu.memory_space<vmem>> -> memref<1x80x64xf32, #tpu.memory_space<vmem>>
    %dma_wait3A_81 = tpu.memref_squeeze %dma_wait3A_80 : memref<1x80x64xf32, #tpu.memory_space<vmem>> -> memref<80x64xf32, #tpu.memory_space<vmem>>
    %dma_wait3A_82 = arith.constant 0 : i32
    %dma_wait3A_83 = arith.constant 0 : i32
    %dma_wait3A_84 = tpu.memref_slice %arg2[%dma_wait3A_82, %dma_wait3A_83] : memref<10000x64xf32, #tpu.memory_space<hbm>> -> memref<80x64xf32, #tpu.memory_space<hbm>>
    %dma_wait3A_85 = arith.constant 0 : i32
    %dma_wait3A_86 = arith.constant 0 : i32
    %dma_wait3A_87 = tpu.memref_slice %arg8[%dma_wait3A_77, %dma_wait3A_85, %dma_wait3A_86] : memref<10x80x64xf32, #tpu.memory_space<vmem>> -> memref<1x80x64xf32, #tpu.memory_space<vmem>>
    %dma_wait3A_88 = tpu.memref_squeeze %dma_wait3A_87 : memref<1x80x64xf32, #tpu.memory_space<vmem>> -> memref<80x64xf32, #tpu.memory_space<vmem>>
    %dma_wait3A_89 = arith.constant 0 : i32
    %dma_wait3A_90 = arith.constant 0 : i32
    %dma_wait3A_91 = tpu.memref_slice %arg2[%dma_wait3A_89, %dma_wait3A_90] : memref<10000x64xf32, #tpu.memory_space<hbm>> -> memref<80x64xf32, #tpu.memory_space<hbm>>
    tpu.wait_dma2 semaphore(%arg11 : memref<!tpu.dma_semaphore, #tpu.memory_space<semaphore_mem>>) src(%dma_wait3A_91 : memref<80x64xf32, #tpu.memory_space<hbm>>) dst(%dma_wait3A_88 : memref<80x64xf32, #tpu.memory_space<vmem>>)
    %dma_wait3A_92 = arith.constant 2 : i32
    %dma_wait3A_93 = arith.constant 0 : i32
    %dma_wait3A_94 = arith.constant 0 : i32
    %dma_wait3A_95 = tpu.memref_slice %arg8[%dma_wait3A_92, %dma_wait3A_93, %dma_wait3A_94] : memref<10x80x64xf32, #tpu.memory_space<vmem>> -> memref<1x80x64xf32, #tpu.memory_space<vmem>>
    %dma_wait3A_96 = tpu.memref_squeeze %dma_wait3A_95 : memref<1x80x64xf32, #tpu.memory_space<vmem>> -> memref<80x64xf32, #tpu.memory_space<vmem>>
    %dma_wait3A_97 = arith.constant 0 : i32
    %dma_wait3A_98 = arith.constant 0 : i32
    %dma_wait3A_99 = tpu.memref_slice %arg2[%dma_wait3A_97, %dma_wait3A_98] : memref<10000x64xf32, #tpu.memory_space<hbm>> -> memref<80x64xf32, #tpu.memory_space<hbm>>
    %dma_wait3A_100 = arith.constant 0 : i32
    %dma_wait3A_101 = arith.constant 0 : i32
    %dma_wait3A_102 = tpu.memref_slice %arg8[%dma_wait3A_92, %dma_wait3A_100, %dma_wait3A_101] : memref<10x80x64xf32, #tpu.memory_space<vmem>> -> memref<1x80x64xf32, #tpu.memory_space<vmem>>
    %dma_wait3A_103 = tpu.memref_squeeze %dma_wait3A_102 : memref<1x80x64xf32, #tpu.memory_space<vmem>> -> memref<80x64xf32, #tpu.memory_space<vmem>>
    %dma_wait3A_104 = arith.constant 0 : i32
    %dma_wait3A_105 = arith.constant 0 : i32
    %dma_wait3A_106 = tpu.memref_slice %arg2[%dma_wait3A_104, %dma_wait3A_105] : memref<10000x64xf32, #tpu.memory_space<hbm>> -> memref<80x64xf32, #tpu.memory_space<hbm>>
    tpu.wait_dma2 semaphore(%arg11 : memref<!tpu.dma_semaphore, #tpu.memory_space<semaphore_mem>>) src(%dma_wait3A_106 : memref<80x64xf32, #tpu.memory_space<hbm>>) dst(%dma_wait3A_103 : memref<80x64xf32, #tpu.memory_space<vmem>>)
    %dma_wait3A_107 = arith.constant 3 : i32
    %dma_wait3A_108 = arith.constant 0 : i32
    %dma_wait3A_109 = arith.constant 0 : i32
    %dma_wait3A_110 = tpu.memref_slice %arg8[%dma_wait3A_107, %dma_wait3A_108, %dma_wait3A_109] : memref<10x80x64xf32, #tpu.memory_space<vmem>> -> memref<1x80x64xf32, #tpu.memory_space<vmem>>
    %dma_wait3A_111 = tpu.memref_squeeze %dma_wait3A_110 : memref<1x80x64xf32, #tpu.memory_space<vmem>> -> memref<80x64xf32, #tpu.memory_space<vmem>>
    %dma_wait3A_112 = arith.constant 0 : i32
    %dma_wait3A_113 = arith.constant 0 : i32
    %dma_wait3A_114 = tpu.memref_slice %arg2[%dma_wait3A_112, %dma_wait3A_113] : memref<10000x64xf32, #tpu.memory_space<hbm>> -> memref<80x64xf32, #tpu.memory_space<hbm>>
    %dma_wait3A_115 = arith.constant 0 : i32
    %dma_wait3A_116 = arith.constant 0 : i32
    %dma_wait3A_117 = tpu.memref_slice %arg8[%dma_wait3A_107, %dma_wait3A_115, %dma_wait3A_116] : memref<10x80x64xf32, #tpu.memory_space<vmem>> -> memref<1x80x64xf32, #tpu.memory_space<vmem>>
    %dma_wait3A_118 = tpu.memref_squeeze %dma_wait3A_117 : memref<1x80x64xf32, #tpu.memory_space<vmem>> -> memref<80x64xf32, #tpu.memory_space<vmem>>
    %dma_wait3A_119 = arith.constant 0 : i32
    %dma_wait3A_120 = arith.constant 0 : i32
    %dma_wait3A_121 = tpu.memref_slice %arg2[%dma_wait3A_119, %dma_wait3A_120] : memref<10000x64xf32, #tpu.memory_space<hbm>> -> memref<80x64xf32, #tpu.memory_space<hbm>>
    tpu.wait_dma2 semaphore(%arg11 : memref<!tpu.dma_semaphore, #tpu.memory_space<semaphore_mem>>) src(%dma_wait3A_121 : memref<80x64xf32, #tpu.memory_space<hbm>>) dst(%dma_wait3A_118 : memref<80x64xf32, #tpu.memory_space<vmem>>)
    %dma_wait3A_122 = arith.constant 4 : i32
    %dma_wait3A_123 = arith.constant 0 : i32
    %dma_wait3A_124 = arith.constant 0 : i32
    %dma_wait3A_125 = tpu.memref_slice %arg8[%dma_wait3A_122, %dma_wait3A_123, %dma_wait3A_124] : memref<10x80x64xf32, #tpu.memory_space<vmem>> -> memref<1x80x64xf32, #tpu.memory_space<vmem>>
    %dma_wait3A_126 = tpu.memref_squeeze %dma_wait3A_125 : memref<1x80x64xf32, #tpu.memory_space<vmem>> -> memref<80x64xf32, #tpu.memory_space<vmem>>
    %dma_wait3A_127 = arith.constant 0 : i32
    %dma_wait3A_128 = arith.constant 0 : i32
    %dma_wait3A_129 = tpu.memref_slice %arg2[%dma_wait3A_127, %dma_wait3A_128] : memref<10000x64xf32, #tpu.memory_space<hbm>> -> memref<80x64xf32, #tpu.memory_space<hbm>>
    %dma_wait3A_130 = arith.constant 0 : i32
    %dma_wait3A_131 = arith.constant 0 : i32
    %dma_wait3A_132 = tpu.memref_slice %arg8[%dma_wait3A_122, %dma_wait3A_130, %dma_wait3A_131] : memref<10x80x64xf32, #tpu.memory_space<vmem>> -> memref<1x80x64xf32, #tpu.memory_space<vmem>>
    %dma_wait3A_133 = tpu.memref_squeeze %dma_wait3A_132 : memref<1x80x64xf32, #tpu.memory_space<vmem>> -> memref<80x64xf32, #tpu.memory_space<vmem>>
    %dma_wait3A_134 = arith.constant 0 : i32
    %dma_wait3A_135 = arith.constant 0 : i32
    %dma_wait3A_136 = tpu.memref_slice %arg2[%dma_wait3A_134, %dma_wait3A_135] : memref<10000x64xf32, #tpu.memory_space<hbm>> -> memref<80x64xf32, #tpu.memory_space<hbm>>
    tpu.wait_dma2 semaphore(%arg11 : memref<!tpu.dma_semaphore, #tpu.memory_space<semaphore_mem>>) src(%dma_wait3A_136 : memref<80x64xf32, #tpu.memory_space<hbm>>) dst(%dma_wait3A_133 : memref<80x64xf32, #tpu.memory_space<vmem>>)
    %barrier3A_137 = arith.constant 0 : index
    tpu.barrier barrier_id(%barrier3A_137)
    %mul3A_138 = arith.constant 640 : i32
    %mul3A_139 = arith.muli %arg1, %mul3A_138 : i32
    %mul3A_140 = arith.constant 640 : i32
    %mul3A_141 = arith.muli %arg1, %mul3A_140 : i32
    "tpu.region"() ({
      %run_scoped3A = tpu.sem_alloc : memref<!tpu.dma_semaphore, #tpu.memory_space<semaphore_mem>>
      %dma_start3A_142 = arith.constant 0 : i32
      %dma_start3A_143 = tpu.memref_slice %arg5[%arg0, %mul3A_141, %dma_start3A_142] : memref<2x10240x64xf32, #tpu.memory_space<hbm>> -> memref<1x640x64xf32, #tpu.memory_space<hbm>>
      %dma_start3A_144 = tpu.memref_squeeze %dma_start3A_143 : memref<1x640x64xf32, #tpu.memory_space<hbm>> -> memref<640x64xf32, #tpu.memory_space<hbm>>
      %dma_start3A_145 = arith.constant 0 : i32
      %dma_start3A_146 = tpu.memref_slice %arg9[%mul3A_139, %dma_start3A_145] : memref<10240x64xf32, #tpu.memory_space<vmem_shared>> -> memref<640x64xf32, #tpu.memory_space<vmem_shared>>
      tpu.enqueue_dma source(%dma_start3A_146 : memref<640x64xf32, #tpu.memory_space<vmem_shared>>) target(%dma_start3A_144 : memref<640x64xf32, #tpu.memory_space<hbm>>) target_semaphore(%run_scoped3A : memref<!tpu.dma_semaphore, #tpu.memory_space<semaphore_mem>>)
      %dma_wait3A_147 = arith.constant 0 : i32
      %dma_wait3A_148 = tpu.memref_slice %arg5[%arg0, %mul3A_141, %dma_wait3A_147] : memref<2x10240x64xf32, #tpu.memory_space<hbm>> -> memref<1x640x64xf32, #tpu.memory_space<hbm>>
      %dma_wait3A_149 = tpu.memref_squeeze %dma_wait3A_148 : memref<1x640x64xf32, #tpu.memory_space<hbm>> -> memref<640x64xf32, #tpu.memory_space<hbm>>
      %dma_wait3A_150 = arith.constant 0 : i32
      %dma_wait3A_151 = tpu.memref_slice %arg9[%mul3A_139, %dma_wait3A_150] : memref<10240x64xf32, #tpu.memory_space<vmem_shared>> -> memref<640x64xf32, #tpu.memory_space<vmem_shared>>
      tpu.wait_dma2 semaphore(%run_scoped3A : memref<!tpu.dma_semaphore, #tpu.memory_space<semaphore_mem>>) src(%dma_wait3A_151 : memref<640x64xf32, #tpu.memory_space<vmem_shared>>) dst(%dma_wait3A_149 : memref<640x64xf32, #tpu.memory_space<hbm>>)
      tpu.yield
    }) : () -> ()
    return
  }
}

#map = affine_map<(d0, d1) -> (0)>
#map1 = affine_map<(d0, d1) -> (0, 0)>
#map2 = affine_map<(d0, d1) -> (0, 0, 0)>
module attributes {stable_mosaic.version = 14 : i64} {
  func.func @_deg_body(%arg0: i32, %arg1: i32, %arg2: memref<640000xi32, #tpu.memory_space<hbm>>, %arg3: memref<80x16xf32, #tpu.memory_space<hbm>>, %arg4: memref<10240x16xf32, #tpu.memory_space<hbm>>, %arg5: memref<2x10240x16xf32, #tpu.memory_space<hbm>>, %arg6: memref<10000xi32, #tpu.memory_space<vmem>>, %arg7: memref<80x16xf32, #tpu.memory_space<vmem>>, %arg8: memref<10240x16xf32, #tpu.memory_space<vmem_shared>>, %arg9: memref<!tpu.dma_semaphore, #tpu.memory_space<semaphore_mem>>) attributes {dimension_semantics = [#tpu.dimension_semantics<core_parallel>, #tpu.dimension_semantics<subcore_parallel>], iteration_bounds = array<i64: 2, 16>, scalar_prefetch = 0 : i64, scratch_operands = 4 : i64, tpu.core_type = #tpu.core_type<sc_vector_subcore>, window_params = [{transform_indices = #map}, {transform_indices = #map1}, {transform_indices = #map1}, {transform_indices = #map2}]} {
    %mul3A = arith.constant 640 : i32
    %mul3A_0 = arith.muli %arg1, %mul3A : i32
    %mul3A_1 = arith.constant 640 : i32
    %mul3A_2 = arith.muli %arg1, %mul3A_1 : i32
    "tpu.region"() ({
      %run_scoped3A = tpu.sem_alloc : memref<!tpu.dma_semaphore, #tpu.memory_space<semaphore_mem>>
      %dma_start3A = arith.constant 0 : i32
      %dma_start3A_19 = tpu.memref_slice %arg8[%mul3A_2, %dma_start3A] : memref<10240x16xf32, #tpu.memory_space<vmem_shared>> -> memref<640x16xf32, #tpu.memory_space<vmem_shared>>
      %dma_start3A_20 = arith.constant 0 : i32
      %dma_start3A_21 = tpu.memref_slice %arg4[%mul3A_0, %dma_start3A_20] : memref<10240x16xf32, #tpu.memory_space<hbm>> -> memref<640x16xf32, #tpu.memory_space<hbm>>
      tpu.enqueue_dma source(%dma_start3A_21 : memref<640x16xf32, #tpu.memory_space<hbm>>) target(%dma_start3A_19 : memref<640x16xf32, #tpu.memory_space<vmem_shared>>) target_semaphore(%run_scoped3A : memref<!tpu.dma_semaphore, #tpu.memory_space<semaphore_mem>>)
      %dma_wait3A = arith.constant 0 : i32
      %dma_wait3A_22 = tpu.memref_slice %arg8[%mul3A_2, %dma_wait3A] : memref<10240x16xf32, #tpu.memory_space<vmem_shared>> -> memref<640x16xf32, #tpu.memory_space<vmem_shared>>
      %dma_wait3A_23 = arith.constant 0 : i32
      %dma_wait3A_24 = tpu.memref_slice %arg4[%mul3A_0, %dma_wait3A_23] : memref<10240x16xf32, #tpu.memory_space<hbm>> -> memref<640x16xf32, #tpu.memory_space<hbm>>
      tpu.wait_dma2 semaphore(%run_scoped3A : memref<!tpu.dma_semaphore, #tpu.memory_space<semaphore_mem>>) src(%dma_wait3A_24 : memref<640x16xf32, #tpu.memory_space<hbm>>) dst(%dma_wait3A_22 : memref<640x16xf32, #tpu.memory_space<vmem_shared>>)
      tpu.yield
    }) : () -> ()
    %mul3A_3 = arith.constant 16 : i32
    %mul3A_4 = arith.muli %arg0, %mul3A_3 : i32
    %add3A = arith.addi %mul3A_4, %arg1 : i32
    %mul3A_5 = arith.constant 10000 : i32
    %mul3A_6 = arith.muli %add3A, %mul3A_5 : i32
    %add3A_7 = arith.constant 320000 : i32
    %add3A_8 = arith.addi %add3A_7, %mul3A_6 : i32
    "tpu.region"() ({
      %run_scoped3A = tpu.sem_alloc : memref<!tpu.dma_semaphore, #tpu.memory_space<semaphore_mem>>
      %dma_start3A = tpu.memref_slice %arg2[%add3A_8] : memref<640000xi32, #tpu.memory_space<hbm>> -> memref<10000xi32, #tpu.memory_space<hbm>>
      %dma_start3A_19 = tpu.memref_slice %arg2[%add3A_8] : memref<640000xi32, #tpu.memory_space<hbm>> -> memref<10000xi32, #tpu.memory_space<hbm>>
      tpu.enqueue_dma source(%dma_start3A_19 : memref<10000xi32, #tpu.memory_space<hbm>>) target(%arg6 : memref<10000xi32, #tpu.memory_space<vmem>>) target_semaphore(%run_scoped3A : memref<!tpu.dma_semaphore, #tpu.memory_space<semaphore_mem>>)
      %dma_wait3A = tpu.memref_slice %arg2[%add3A_8] : memref<640000xi32, #tpu.memory_space<hbm>> -> memref<10000xi32, #tpu.memory_space<hbm>>
      %dma_wait3A_20 = tpu.memref_slice %arg2[%add3A_8] : memref<640000xi32, #tpu.memory_space<hbm>> -> memref<10000xi32, #tpu.memory_space<hbm>>
      tpu.wait_dma2 semaphore(%run_scoped3A : memref<!tpu.dma_semaphore, #tpu.memory_space<semaphore_mem>>) src(%dma_wait3A_20 : memref<10000xi32, #tpu.memory_space<hbm>>) dst(%arg6 : memref<10000xi32, #tpu.memory_space<vmem>>)
      tpu.yield
    }) : () -> ()
    "tpu.region"() ({
      %run_scoped3A = tpu.sem_alloc : memref<!tpu.dma_semaphore, #tpu.memory_space<semaphore_mem>>
      tpu.enqueue_dma source(%arg3 : memref<80x16xf32, #tpu.memory_space<hbm>>) target(%arg7 : memref<80x16xf32, #tpu.memory_space<vmem>>) target_semaphore(%run_scoped3A : memref<!tpu.dma_semaphore, #tpu.memory_space<semaphore_mem>>)
      tpu.wait_dma2 semaphore(%run_scoped3A : memref<!tpu.dma_semaphore, #tpu.memory_space<semaphore_mem>>) src(%arg3 : memref<80x16xf32, #tpu.memory_space<hbm>>) dst(%arg7 : memref<80x16xf32, #tpu.memory_space<vmem>>)
      tpu.yield
    }) : () -> ()
    %barrier3A = arith.constant 0 : index
    tpu.barrier barrier_id(%barrier3A)
    %scan3A = arith.constant 0 : i32
    %scan3A_9 = arith.constant 0 : i32
    %scan3A_10 = arith.constant 125 : i32
    %scan3A_11 = arith.addi %scan3A_9, %scan3A_10 : i32
    %scan3A_12 = arith.constant 1 : i32
    scf.for %scan3A_19 = %scan3A_9 to %scan3A_11 step %scan3A_12  : i32 {
      %mul3A_20 = arith.constant 80 : i32
      %mul3A_21 = arith.muli %scan3A_19, %mul3A_20 : i32
      %dma_start3A = tpu.memref_slice %arg6[%mul3A_21] : memref<10000xi32, #tpu.memory_space<vmem>> -> memref<80xi32, #tpu.memory_space<vmem>>
      %dma_start3A_22 = arith.constant 0 : i32
      %dma_start3A_23 = arith.constant 0 : i32
      %dma_start3A_24 = tpu.memref_slice %arg8[%dma_start3A_22, %dma_start3A_23] : memref<10240x16xf32, #tpu.memory_space<vmem_shared>> -> memref<10240x16xf32, #tpu.memory_space<vmem_shared>>
      tpu.enqueue_indirect_dma source(%arg7 : memref<80x16xf32, #tpu.memory_space<vmem>>) target(%dma_start3A_24 : memref<10240x16xf32, #tpu.memory_space<vmem_shared>>) offsets(%dma_start3A : memref<80xi32, #tpu.memory_space<vmem>>) semaphore(%arg9 : memref<!tpu.dma_semaphore, #tpu.memory_space<semaphore_mem>>) {add = true}
      %ge3A = arith.constant 16 : i32
      %ge3A_25 = arith.cmpi sge, %scan3A_19, %ge3A : i32
      %convert_element_type3A = arith.extui %ge3A_25 : i1 to i32
      %cond3A = arith.constant 0 : i32
      %cond3A_26 = arith.cmpi ne, %convert_element_type3A, %cond3A : i32
      scf.if %cond3A_26 {
        tpu.wait_dma2 semaphore(%arg9 : memref<!tpu.dma_semaphore, #tpu.memory_space<semaphore_mem>>) src(%arg3 : memref<80x16xf32, #tpu.memory_space<hbm>>) dst(%arg7 : memref<80x16xf32, #tpu.memory_space<vmem>>)
      } else {
      }
    }
    %scan3A_13 = arith.constant 125 : i32
    tpu.wait_dma2 semaphore(%arg9 : memref<!tpu.dma_semaphore, #tpu.memory_space<semaphore_mem>>) src(%arg3 : memref<80x16xf32, #tpu.memory_space<hbm>>) dst(%arg7 : memref<80x16xf32, #tpu.memory_space<vmem>>)
    tpu.wait_dma2 semaphore(%arg9 : memref<!tpu.dma_semaphore, #tpu.memory_space<semaphore_mem>>) src(%arg3 : memref<80x16xf32, #tpu.memory_space<hbm>>) dst(%arg7 : memref<80x16xf32, #tpu.memory_space<vmem>>)
    tpu.wait_dma2 semaphore(%arg9 : memref<!tpu.dma_semaphore, #tpu.memory_space<semaphore_mem>>) src(%arg3 : memref<80x16xf32, #tpu.memory_space<hbm>>) dst(%arg7 : memref<80x16xf32, #tpu.memory_space<vmem>>)
    tpu.wait_dma2 semaphore(%arg9 : memref<!tpu.dma_semaphore, #tpu.memory_space<semaphore_mem>>) src(%arg3 : memref<80x16xf32, #tpu.memory_space<hbm>>) dst(%arg7 : memref<80x16xf32, #tpu.memory_space<vmem>>)
    tpu.wait_dma2 semaphore(%arg9 : memref<!tpu.dma_semaphore, #tpu.memory_space<semaphore_mem>>) src(%arg3 : memref<80x16xf32, #tpu.memory_space<hbm>>) dst(%arg7 : memref<80x16xf32, #tpu.memory_space<vmem>>)
    tpu.wait_dma2 semaphore(%arg9 : memref<!tpu.dma_semaphore, #tpu.memory_space<semaphore_mem>>) src(%arg3 : memref<80x16xf32, #tpu.memory_space<hbm>>) dst(%arg7 : memref<80x16xf32, #tpu.memory_space<vmem>>)
    tpu.wait_dma2 semaphore(%arg9 : memref<!tpu.dma_semaphore, #tpu.memory_space<semaphore_mem>>) src(%arg3 : memref<80x16xf32, #tpu.memory_space<hbm>>) dst(%arg7 : memref<80x16xf32, #tpu.memory_space<vmem>>)
    tpu.wait_dma2 semaphore(%arg9 : memref<!tpu.dma_semaphore, #tpu.memory_space<semaphore_mem>>) src(%arg3 : memref<80x16xf32, #tpu.memory_space<hbm>>) dst(%arg7 : memref<80x16xf32, #tpu.memory_space<vmem>>)
    tpu.wait_dma2 semaphore(%arg9 : memref<!tpu.dma_semaphore, #tpu.memory_space<semaphore_mem>>) src(%arg3 : memref<80x16xf32, #tpu.memory_space<hbm>>) dst(%arg7 : memref<80x16xf32, #tpu.memory_space<vmem>>)
    tpu.wait_dma2 semaphore(%arg9 : memref<!tpu.dma_semaphore, #tpu.memory_space<semaphore_mem>>) src(%arg3 : memref<80x16xf32, #tpu.memory_space<hbm>>) dst(%arg7 : memref<80x16xf32, #tpu.memory_space<vmem>>)
    tpu.wait_dma2 semaphore(%arg9 : memref<!tpu.dma_semaphore, #tpu.memory_space<semaphore_mem>>) src(%arg3 : memref<80x16xf32, #tpu.memory_space<hbm>>) dst(%arg7 : memref<80x16xf32, #tpu.memory_space<vmem>>)
    tpu.wait_dma2 semaphore(%arg9 : memref<!tpu.dma_semaphore, #tpu.memory_space<semaphore_mem>>) src(%arg3 : memref<80x16xf32, #tpu.memory_space<hbm>>) dst(%arg7 : memref<80x16xf32, #tpu.memory_space<vmem>>)
    tpu.wait_dma2 semaphore(%arg9 : memref<!tpu.dma_semaphore, #tpu.memory_space<semaphore_mem>>) src(%arg3 : memref<80x16xf32, #tpu.memory_space<hbm>>) dst(%arg7 : memref<80x16xf32, #tpu.memory_space<vmem>>)
    tpu.wait_dma2 semaphore(%arg9 : memref<!tpu.dma_semaphore, #tpu.memory_space<semaphore_mem>>) src(%arg3 : memref<80x16xf32, #tpu.memory_space<hbm>>) dst(%arg7 : memref<80x16xf32, #tpu.memory_space<vmem>>)
    tpu.wait_dma2 semaphore(%arg9 : memref<!tpu.dma_semaphore, #tpu.memory_space<semaphore_mem>>) src(%arg3 : memref<80x16xf32, #tpu.memory_space<hbm>>) dst(%arg7 : memref<80x16xf32, #tpu.memory_space<vmem>>)
    tpu.wait_dma2 semaphore(%arg9 : memref<!tpu.dma_semaphore, #tpu.memory_space<semaphore_mem>>) src(%arg3 : memref<80x16xf32, #tpu.memory_space<hbm>>) dst(%arg7 : memref<80x16xf32, #tpu.memory_space<vmem>>)
    %barrier3A_14 = arith.constant 0 : index
    tpu.barrier barrier_id(%barrier3A_14)
    %mul3A_15 = arith.constant 640 : i32
    %mul3A_16 = arith.muli %arg1, %mul3A_15 : i32
    %mul3A_17 = arith.constant 640 : i32
    %mul3A_18 = arith.muli %arg1, %mul3A_17 : i32
    "tpu.region"() ({
      %run_scoped3A = tpu.sem_alloc : memref<!tpu.dma_semaphore, #tpu.memory_space<semaphore_mem>>
      %dma_start3A = arith.constant 0 : i32
      %dma_start3A_19 = tpu.memref_slice %arg5[%arg0, %mul3A_18, %dma_start3A] : memref<2x10240x16xf32, #tpu.memory_space<hbm>> -> memref<1x640x16xf32, #tpu.memory_space<hbm>>
      %dma_start3A_20 = tpu.memref_squeeze %dma_start3A_19 : memref<1x640x16xf32, #tpu.memory_space<hbm>> -> memref<640x16xf32, #tpu.memory_space<hbm>>
      %dma_start3A_21 = arith.constant 0 : i32
      %dma_start3A_22 = tpu.memref_slice %arg8[%mul3A_16, %dma_start3A_21] : memref<10240x16xf32, #tpu.memory_space<vmem_shared>> -> memref<640x16xf32, #tpu.memory_space<vmem_shared>>
      tpu.enqueue_dma source(%dma_start3A_22 : memref<640x16xf32, #tpu.memory_space<vmem_shared>>) target(%dma_start3A_20 : memref<640x16xf32, #tpu.memory_space<hbm>>) target_semaphore(%run_scoped3A : memref<!tpu.dma_semaphore, #tpu.memory_space<semaphore_mem>>)
      %dma_wait3A = arith.constant 0 : i32
      %dma_wait3A_23 = tpu.memref_slice %arg5[%arg0, %mul3A_18, %dma_wait3A] : memref<2x10240x16xf32, #tpu.memory_space<hbm>> -> memref<1x640x16xf32, #tpu.memory_space<hbm>>
      %dma_wait3A_24 = tpu.memref_squeeze %dma_wait3A_23 : memref<1x640x16xf32, #tpu.memory_space<hbm>> -> memref<640x16xf32, #tpu.memory_space<hbm>>
      %dma_wait3A_25 = arith.constant 0 : i32
      %dma_wait3A_26 = tpu.memref_slice %arg8[%mul3A_16, %dma_wait3A_25] : memref<10240x16xf32, #tpu.memory_space<vmem_shared>> -> memref<640x16xf32, #tpu.memory_space<vmem_shared>>
      tpu.wait_dma2 semaphore(%run_scoped3A : memref<!tpu.dma_semaphore, #tpu.memory_space<semaphore_mem>>) src(%dma_wait3A_26 : memref<640x16xf32, #tpu.memory_space<vmem_shared>>) dst(%dma_wait3A_24 : memref<640x16xf32, #tpu.memory_space<hbm>>)
      tpu.yield
    }) : () -> ()
    return
  }
}

module attributes {stable_mosaic.version = 14 : i64} {
  func.func @_mm_body(%arg0: i32, %arg1: memref<2000x128xf32, #tpu.memory_space<vmem>>, %arg2: memref<128x64xf32, #tpu.memory_space<vmem>>, %arg3: memref<1x64xf32, #tpu.memory_space<vmem>>, %arg4: memref<64x64xf32, #tpu.memory_space<vmem>>, %arg5: memref<2000x64xf32, #tpu.memory_space<vmem>>) attributes {dimension_semantics = [#tpu.dimension_semantics<arbitrary>], iteration_bounds = array<i64: 5>, scalar_prefetch = 0 : i64, scratch_operands = 0 : i64, tpu.core_type = #tpu.core_type<tc>, window_params = [{transform_indices = @transform_0, window_bounds = array<i64: 2000, 128>}, {pipeline_mode = #tpu.pipeline_mode<synchronous>, transform_indices = @transform_1, window_bounds = array<i64: 128, 64>}, {pipeline_mode = #tpu.pipeline_mode<synchronous>, transform_indices = @transform_2, window_bounds = array<i64: 1, 64>}, {pipeline_mode = #tpu.pipeline_mode<synchronous>, transform_indices = @transform_3, window_bounds = array<i64: 64, 64>}, {transform_indices = @transform_4, window_bounds = array<i64: 2000, 64>}]} {
    %get3A = arith.constant 0 : index
    %get3A_0 = arith.constant 0 : index
    %get3A_1 = vector.load %arg1[%get3A, %get3A_0] : memref<2000x128xf32, #tpu.memory_space<vmem>>, vector<2000x128xf32>
    %get3A_2 = arith.constant 0 : index
    %get3A_3 = arith.constant 0 : index
    %get3A_4 = vector.load %arg2[%get3A_2, %get3A_3] : memref<128x64xf32, #tpu.memory_space<vmem>>, vector<128x64xf32>
    %dot_general3A = arith.constant dense<0.000000e+00> : vector<2000x64xf32>
    %dot_general3A_5 = tpu.matmul %get3A_1, %get3A_4, %dot_general3A {dimension_numbers = #tpu.dot_dimension_numbers<[1], [0], [0], [1], [0, 0, 1, 1], [], []>, transpose_lhs_hint = false} : vector<2000x128xf32>, vector<128x64xf32>, vector<2000x64xf32> -> vector<2000x64xf32>
    %get3A_6 = arith.constant 0 : index
    %get3A_7 = arith.constant 0 : index
    %get3A_8 = vector.load %arg3[%get3A_6, %get3A_7] : memref<1x64xf32, #tpu.memory_space<vmem>>, vector<1x64xf32>
    %add3A = vector.broadcast %get3A_8 : vector<1x64xf32> to vector<2000x64xf32>
    %add3A_9 = arith.addf %dot_general3A_5, %add3A : vector<2000x64xf32>
    %max3A = arith.constant 0.000000e+00 : f32
    %max3A_10 = vector.broadcast %max3A : f32 to vector<2000x64xf32>
    %max3A_11 = arith.maximumf %add3A_9, %max3A_10 : vector<2000x64xf32>
    %get3A_12 = arith.constant 0 : index
    %get3A_13 = arith.constant 0 : index
    %get3A_14 = vector.load %arg4[%get3A_12, %get3A_13] : memref<64x64xf32, #tpu.memory_space<vmem>>, vector<64x64xf32>
    %dot_general3A_15 = arith.constant dense<0.000000e+00> : vector<2000x64xf32>
    %dot_general3A_16 = tpu.matmul %max3A_11, %get3A_14, %dot_general3A_15 {dimension_numbers = #tpu.dot_dimension_numbers<[1], [0], [0], [1], [0, 0, 1, 1], [], []>, transpose_lhs_hint = false} : vector<2000x64xf32>, vector<64x64xf32>, vector<2000x64xf32> -> vector<2000x64xf32>
    %swap3A = arith.constant 0 : index
    %swap3A_17 = arith.constant 0 : index
    %swap3A_18 = vector.load %arg5[%swap3A, %swap3A_17] : memref<2000x64xf32, #tpu.memory_space<vmem>>, vector<2000x64xf32>
    tpu.vector_store %arg5[%swap3A, %swap3A_17], %dot_general3A_16 {strides = array<i32>} : memref<2000x64xf32, #tpu.memory_space<vmem>>, vector<2000x64xf32>,
    return
  }
  func.func @transform_0(%arg0: i32) -> (i32, i32) {
    %c0_i32 = arith.constant 0 : i32
    %c0_i32_0 = arith.constant 0 : i32
    return %arg0, %c0_i32 : i32, i32
  }
  func.func @transform_1(%arg0: i32) -> (i32, i32) {
    %c0_i32 = arith.constant 0 : i32
    %c0_i32_0 = arith.constant 0 : i32
    %c0_i32_1 = arith.constant 0 : i32
    return %c0_i32, %c0_i32_0 : i32, i32
  }
  func.func @transform_2(%arg0: i32) -> (i32, i32) {
    %c0_i32 = arith.constant 0 : i32
    %c0_i32_0 = arith.constant 0 : i32
    %c0_i32_1 = arith.constant 0 : i32
    return %c0_i32, %c0_i32_0 : i32, i32
  }
  func.func @transform_3(%arg0: i32) -> (i32, i32) {
    %c0_i32 = arith.constant 0 : i32
    %c0_i32_0 = arith.constant 0 : i32
    %c0_i32_1 = arith.constant 0 : i32
    return %c0_i32, %c0_i32_0 : i32, i32
  }
  func.func @transform_4(%arg0: i32) -> (i32, i32) {
    %c0_i32 = arith.constant 0 : i32
    %c0_i32_0 = arith.constant 0 : i32
    return %arg0, %c0_i32 : i32, i32
  }
}

module attributes {stable_mosaic.version = 14 : i64} {
  func.func @_scale_body(%arg0: i32, %arg1: memref<2000x64xf32, #tpu.memory_space<vmem>>, %arg2: memref<2x2000x16xf32, #tpu.memory_space<vmem>>, %arg3: memref<2000x64xf32, #tpu.memory_space<vmem>>) attributes {dimension_semantics = [#tpu.dimension_semantics<arbitrary>], iteration_bounds = array<i64: 5>, scalar_prefetch = 0 : i64, scratch_operands = 0 : i64, tpu.core_type = #tpu.core_type<tc>, window_params = [{transform_indices = @transform_0, window_bounds = array<i64: 2000, 64>}, {transform_indices = @transform_1, window_bounds = array<i64: 2, 2000, 16>}, {transform_indices = @transform_2, window_bounds = array<i64: 2000, 64>}]} {
    %get3A = arith.constant 0 : index
    %get3A_0 = arith.constant 0 : index
    %get3A_1 = arith.constant 0 : index
    %get3A_2 = vector.load %arg2[%get3A, %get3A_0, %get3A_1] : memref<2x2000x16xf32, #tpu.memory_space<vmem>>, vector<2x2000x16xf32>
    %slice3A = vector.extract_strided_slice %get3A_2 {offsets = [0, 0, 0], sizes = [1, 2000, 16], strides = [1, 1, 1]} : vector<2x2000x16xf32> to vector<1x2000x16xf32>
    %squeeze3A = vector.shape_cast %slice3A : vector<1x2000x16xf32> to vector<2000x16xf32>
    %slice3A_3 = vector.extract_strided_slice %get3A_2 {offsets = [1, 0, 0], sizes = [1, 2000, 16], strides = [1, 1, 1]} : vector<2x2000x16xf32> to vector<1x2000x16xf32>
    %squeeze3A_4 = vector.shape_cast %slice3A_3 : vector<1x2000x16xf32> to vector<2000x16xf32>
    %add3A = arith.addf %squeeze3A, %squeeze3A_4 : vector<2000x16xf32>
    %add3A_5 = arith.constant 1.000000e+00 : f32
    %add3A_6 = vector.broadcast %add3A_5 : f32 to vector<2000x16xf32>
    %add3A_7 = arith.addf %add3A, %add3A_6 : vector<2000x16xf32>
    %rsqrt3A = math.rsqrt %add3A_7 : vector<2000x16xf32>
    %slice3A_8 = vector.extract_strided_slice %rsqrt3A {offsets = [0, 0], sizes = [2000, 1], strides = [1, 1]} : vector<2000x16xf32> to vector<2000x1xf32>
    %get3A_9 = arith.constant 0 : index
    %get3A_10 = arith.constant 0 : index
    %get3A_11 = vector.load %arg1[%get3A_9, %get3A_10] : memref<2000x64xf32, #tpu.memory_space<vmem>>, vector<2000x64xf32>
    %mul3A = vector.broadcast %slice3A_8 : vector<2000x1xf32> to vector<2000x64xf32>
    %mul3A_12 = arith.mulf %get3A_11, %mul3A : vector<2000x64xf32>
    %swap3A = arith.constant 0 : index
    %swap3A_13 = arith.constant 0 : index
    %swap3A_14 = vector.load %arg3[%swap3A, %swap3A_13] : memref<2000x64xf32, #tpu.memory_space<vmem>>, vector<2000x64xf32>
    tpu.vector_store %arg3[%swap3A, %swap3A_13], %mul3A_12 {strides = array<i32>} : memref<2000x64xf32, #tpu.memory_space<vmem>>, vector<2000x64xf32>,
    return
  }
  func.func @transform_0(%arg0: i32) -> (i32, i32) {
    %c0_i32 = arith.constant 0 : i32
    %c0_i32_0 = arith.constant 0 : i32
    return %arg0, %c0_i32 : i32, i32
  }
  func.func @transform_1(%arg0: i32) -> (i32, i32, i32) {
    %c0_i32 = arith.constant 0 : i32
    %c0_i32_0 = arith.constant 0 : i32
    %c0_i32_1 = arith.constant 0 : i32
    return %c0_i32, %arg0, %c0_i32_0 : i32, i32, i32
  }
  func.func @transform_2(%arg0: i32) -> (i32, i32) {
    %c0_i32 = arith.constant 0 : i32
    %c0_i32_0 = arith.constant 0 : i32
    return %arg0, %c0_i32 : i32, i32
  }
}

module attributes {stable_mosaic.version = 14 : i64} {
  func.func @_back_body(%arg0: i32, %arg1: memref<2x2048x64xf32, #tpu.memory_space<vmem>>, %arg2: memref<2x2048x16xf32, #tpu.memory_space<vmem>>, %arg3: memref<2048x64xf32, #tpu.memory_space<vmem>>, %arg4: memref<1x64xf32, #tpu.memory_space<vmem>>, %arg5: memref<64x40xf32, #tpu.memory_space<vmem>>, %arg6: memref<1x40xf32, #tpu.memory_space<vmem>>, %arg7: memref<40x2048xf32, #tpu.memory_space<vmem>>) attributes {dimension_semantics = [#tpu.dimension_semantics<arbitrary>], iteration_bounds = array<i64: 5>, scalar_prefetch = 0 : i64, scratch_operands = 0 : i64, tpu.core_type = #tpu.core_type<tc>, window_params = [{transform_indices = @transform_0, window_bounds = array<i64: 2, 2048, 64>}, {transform_indices = @transform_1, window_bounds = array<i64: 2, 2048, 16>}, {transform_indices = @transform_2, window_bounds = array<i64: 2048, 64>}, {pipeline_mode = #tpu.pipeline_mode<synchronous>, transform_indices = @transform_3, window_bounds = array<i64: 1, 64>}, {pipeline_mode = #tpu.pipeline_mode<synchronous>, transform_indices = @transform_4, window_bounds = array<i64: 64, 40>}, {pipeline_mode = #tpu.pipeline_mode<synchronous>, transform_indices = @transform_5, window_bounds = array<i64: 1, 40>}, {transform_indices = @transform_6, window_bounds = array<i64: 40, 2048>}]} {
    %get3A = arith.constant 0 : index
    %get3A_0 = arith.constant 0 : index
    %get3A_1 = arith.constant 0 : index
    %get3A_2 = vector.load %arg2[%get3A, %get3A_0, %get3A_1] : memref<2x2048x16xf32, #tpu.memory_space<vmem>>, vector<2x2048x16xf32>
    %slice3A = vector.extract_strided_slice %get3A_2 {offsets = [0, 0, 0], sizes = [1, 2048, 16], strides = [1, 1, 1]} : vector<2x2048x16xf32> to vector<1x2048x16xf32>
    %squeeze3A = vector.shape_cast %slice3A : vector<1x2048x16xf32> to vector<2048x16xf32>
    %slice3A_3 = vector.extract_strided_slice %get3A_2 {offsets = [1, 0, 0], sizes = [1, 2048, 16], strides = [1, 1, 1]} : vector<2x2048x16xf32> to vector<1x2048x16xf32>
    %squeeze3A_4 = vector.shape_cast %slice3A_3 : vector<1x2048x16xf32> to vector<2048x16xf32>
    %add3A = arith.addf %squeeze3A, %squeeze3A_4 : vector<2048x16xf32>
    %add3A_5 = arith.constant 1.000000e+00 : f32
    %add3A_6 = vector.broadcast %add3A_5 : f32 to vector<2048x16xf32>
    %add3A_7 = arith.addf %add3A, %add3A_6 : vector<2048x16xf32>
    %rsqrt3A = math.rsqrt %add3A_7 : vector<2048x16xf32>
    %slice3A_8 = vector.extract_strided_slice %rsqrt3A {offsets = [0, 0], sizes = [2048, 1], strides = [1, 1]} : vector<2048x16xf32> to vector<2048x1xf32>
    %get3A_9 = arith.constant 0 : index
    %get3A_10 = arith.constant 0 : index
    %get3A_11 = arith.constant 0 : index
    %get3A_12 = vector.load %arg1[%get3A_9, %get3A_10, %get3A_11] : memref<2x2048x64xf32, #tpu.memory_space<vmem>>, vector<2x2048x64xf32>
    %slice3A_13 = vector.extract_strided_slice %get3A_12 {offsets = [0, 0, 0], sizes = [1, 2048, 64], strides = [1, 1, 1]} : vector<2x2048x64xf32> to vector<1x2048x64xf32>
    %squeeze3A_14 = vector.shape_cast %slice3A_13 : vector<1x2048x64xf32> to vector<2048x64xf32>
    %slice3A_15 = vector.extract_strided_slice %get3A_12 {offsets = [1, 0, 0], sizes = [1, 2048, 64], strides = [1, 1, 1]} : vector<2x2048x64xf32> to vector<1x2048x64xf32>
    %squeeze3A_16 = vector.shape_cast %slice3A_15 : vector<1x2048x64xf32> to vector<2048x64xf32>
    %add3A_17 = arith.addf %squeeze3A_14, %squeeze3A_16 : vector<2048x64xf32>
    %get3A_18 = arith.constant 0 : index
    %get3A_19 = arith.constant 0 : index
    %get3A_20 = vector.load %arg3[%get3A_18, %get3A_19] : memref<2048x64xf32, #tpu.memory_space<vmem>>, vector<2048x64xf32>
    %add3A_21 = arith.addf %add3A_17, %get3A_20 : vector<2048x64xf32>
    %mul3A = vector.broadcast %slice3A_8 : vector<2048x1xf32> to vector<2048x64xf32>
    %mul3A_22 = arith.mulf %add3A_21, %mul3A : vector<2048x64xf32>
    %get3A_23 = arith.constant 0 : index
    %get3A_24 = arith.constant 0 : index
    %get3A_25 = vector.load %arg4[%get3A_23, %get3A_24] : memref<1x64xf32, #tpu.memory_space<vmem>>, vector<1x64xf32>
    %add3A_26 = vector.broadcast %get3A_25 : vector<1x64xf32> to vector<2048x64xf32>
    %add3A_27 = arith.addf %mul3A_22, %add3A_26 : vector<2048x64xf32>
    %get3A_28 = arith.constant 0 : index
    %get3A_29 = arith.constant 0 : index
    %get3A_30 = vector.load %arg5[%get3A_28, %get3A_29] : memref<64x40xf32, #tpu.memory_space<vmem>>, vector<64x40xf32>
    %dot_general3A = arith.constant dense<0.000000e+00> : vector<2048x40xf32>
    %dot_general3A_31 = tpu.matmul %add3A_27, %get3A_30, %dot_general3A {dimension_numbers = #tpu.dot_dimension_numbers<[1], [0], [0], [1], [0, 0, 1, 1], [], []>, transpose_lhs_hint = false} : vector<2048x64xf32>, vector<64x40xf32>, vector<2048x40xf32> -> vector<2048x40xf32>
    %get3A_32 = arith.constant 0 : index
    %get3A_33 = arith.constant 0 : index
    %get3A_34 = vector.load %arg6[%get3A_32, %get3A_33] : memref<1x40xf32, #tpu.memory_space<vmem>>, vector<1x40xf32>
    %add3A_35 = vector.broadcast %get3A_34 : vector<1x40xf32> to vector<2048x40xf32>
    %add3A_36 = arith.addf %dot_general3A_31, %add3A_35 : vector<2048x40xf32>
    %max3A = arith.constant 0.000000e+00 : f32
    %max3A_37 = vector.broadcast %max3A : f32 to vector<2048x40xf32>
    %max3A_38 = arith.maximumf %add3A_36, %max3A_37 : vector<2048x40xf32>
    %transpose3A = tpu.transpose %max3A_38, [1, 0] : vector<2048x40xf32> -> vector<40x2048xf32>
    %swap3A = arith.constant 0 : index
    %swap3A_39 = arith.constant 0 : index
    %swap3A_40 = vector.load %arg7[%swap3A, %swap3A_39] : memref<40x2048xf32, #tpu.memory_space<vmem>>, vector<40x2048xf32>
    tpu.vector_store %arg7[%swap3A, %swap3A_39], %transpose3A {strides = array<i32>} : memref<40x2048xf32, #tpu.memory_space<vmem>>, vector<40x2048xf32>,
    return
  }
  func.func @transform_0(%arg0: i32) -> (i32, i32, i32) {
    %c0_i32 = arith.constant 0 : i32
    %c0_i32_0 = arith.constant 0 : i32
    %c0_i32_1 = arith.constant 0 : i32
    return %c0_i32, %arg0, %c0_i32_0 : i32, i32, i32
  }
  func.func @transform_1(%arg0: i32) -> (i32, i32, i32) {
    %c0_i32 = arith.constant 0 : i32
    %c0_i32_0 = arith.constant 0 : i32
    %c0_i32_1 = arith.constant 0 : i32
    return %c0_i32, %arg0, %c0_i32_0 : i32, i32, i32
  }
  func.func @transform_2(%arg0: i32) -> (i32, i32) {
    %c0_i32 = arith.constant 0 : i32
    %c0_i32_0 = arith.constant 0 : i32
    return %arg0, %c0_i32 : i32, i32
  }
  func.func @transform_3(%arg0: i32) -> (i32, i32) {
    %c0_i32 = arith.constant 0 : i32
    %c0_i32_0 = arith.constant 0 : i32
    %c0_i32_1 = arith.constant 0 : i32
    return %c0_i32, %c0_i32_0 : i32, i32
  }
  func.func @transform_4(%arg0: i32) -> (i32, i32) {
    %c0_i32 = arith.constant 0 : i32
    %c0_i32_0 = arith.constant 0 : i32
    %c0_i32_1 = arith.constant 0 : i32
    return %c0_i32, %c0_i32_0 : i32, i32
  }
  func.func @transform_5(%arg0: i32) -> (i32, i32) {
    %c0_i32 = arith.constant 0 : i32
    %c0_i32_0 = arith.constant 0 : i32
    %c0_i32_1 = arith.constant 0 : i32
    return %c0_i32, %c0_i32_0 : i32, i32
  }
  func.func @transform_6(%arg0: i32) -> (i32, i32) {
    %c0_i32 = arith.constant 0 : i32
    %c0_i32_0 = arith.constant 0 : i32
    return %c0_i32, %arg0 : i32, i32
  }
}

</mosaic_0001>

<sc_bundles>
// kernel: kernel.10.cloned.1.call-start
scs
__scs_entry_jumppad:
0x0: {  	(pc) =	sbr.rel $0x88, $3  }
0x1: {  	(tag) =	ssettag $0x0;
	lr =	simm.s32 $0x1  }
0x2: {  	[smem:$0x3F99] =	sst lr;
	_ =	strace $0xD0000000  }
0x3: {  	_ = 	snop  }
0x4: {  	_ = 	snop  }
0x5: {  	_ = 	snop  }
0x6: {  	_ = 	snop  }
0x7: {  	_ = 	snop  }
__scs_overlays_trampoline_lowered:
0x8: {  	[smem:$0x3FA8] =	sst s0  }
0x9: {  	[smem:$0x3FA9] =	sst s1  }
0xa: {  	[smem:$0x3FAA] =	sst s2  }
0xb: {  	[smem:$0x3FAB] =	sst s3  }
0xc: {  	[smem:$0x3FAC] =	sst s4  }
0xd: {  	[smem:$0x3FAD] =	sst s5  }
0xe: {  	[smem:$0x3FAE] =	sst s6  }
0xf: {  	[smem:$0x3FAF] =	sst s7  }
0x10: {  	[smem:$0x3FB0] =	sst s8  }
0x11: {  	[smem:$0x3FB1] =	sst s9;
	s0 =	simm.s32 @!p0 $0x0  }
0x12: {  	s1 =	sld [smem:$0x3F97];
	s0 =	simm.s32 @p0 $0x1  }
0x13: {  	[smem:$0x3FB2] =	sst s0;
	s0 =	simm.s32 @!p1 $0x0  }
0x14: {  	s2 =	sld [smem:$0x3F96];
	s0 =	simm.s32 @p1 $0x1  }
0x15: {  	[smem:$0x3FB3] =	sst s0;
	s0 =	simm.s32 @!p2 $0x0  }
0x16: {  	s3 =	sld [smem:$0x3FDB];
	s0 =	simm.s32 @p2 $0x1  }
0x17: {  	s4 =	simm.s32 $0x1BF5;
	[smem:$0x3FB5] =	sst s0  }
0x18: {  	s0 =	sld [smem:$0x3F98];
	_ =	swait.ge [sflag:s4], $0x0  }
0x19: {  	s7 =	sld [smem:$0x3F99]  }
0x1a: {  	s8 =	sadd.s32 $0xFFFFE003, lr  }
0x1b: {  	s9 =	sadd.s32 $0xFFFFFEF7, lr;
	s5 =	simm.s32 $0xFFFFFFFF;
	p2 =	slt.u32 s8, $0xFFFFF086  }
0x1c: {  	p1 =	slt.u32 s9, $0xF7A;
	s5 =	simm.s32 @!p2 $0x0  }
0x1d: {  	s5 =	simm.s32 @p1 $0x1;
	p0 =	seq.s32 s7, s2  }
0x1e: {  	s7 =	smul.u32 @!p0 $0xF7A, s2;
	p2 =	seq.s32 @!p0 s5, $0x0  }
0x1f: {  	s9 =	smul.u32 $0xF7A, s1;
	s8 =	simm.s32 @!p0 $0x1BF5;
	p2 =	por !p2, p0  }
0x20: {  	[sflag:s8] =	ssyncset.s32 @!p0 $0xFFFFF086;
	s6 =	sadd.s32 @!p0 s3, s7;
	s7 =	simm.s32 @!p0 $0x108  }
0x21: {  	s3 =	sadd.s32 s3, s9;
	s6 =	sadd.s32 @!p0 $0x88, s6;
	s7 =	simm.s32 @p2 $0x1082  }
0x22: {  	[simem:s7], [sflag:s8] =	dma.local @!p0 [hbm:s6], $0xF7A  }
0x23: {  	s9 =	sor.u32 $0xD0000000, s2;
	s6 =	simm.s32 $0x108;
	_ =	swait.ge @!p0 [sflag:s8], $0x0  }
0x24: {  	s3 =	sadd.s32 $0x88, s3;
	s6 =	simm.s32 @!p1 $0x1082;
	[sflag:s4] =	ssyncset.s32 $0xFFFFF086  }
0x25: {  	[simem:s6], [sflag:s4] =	dma.local [hbm:s3], $0xF7A  }
0x26: {  	[smem:$0x3F99] =	sst s1;
	(tag) =	ssettag s2;
	_ =	strace s9  }
0x27: {  	s1 =	sld [smem:$0x3FA9]  }
0x28: {  	s2 =	sld [smem:$0x3FAA]  }
0x29: {  	s4 =	sld [smem:$0x3FAC]  }
0x2a: {  	p0 =	seq.s32 s5, $0x0;
	s5 =	sld [smem:$0x3FAD]  }
0x2b: {  	s6 =	sld [smem:$0x3FAE]  }
0x2c: {  	s7 =	sld [smem:$0x3FAF]  }
0x2d: {  	s3 =	simm.s32 $0x108;
	s8 =	sld [smem:$0x3FB0]  }
0x2e: {  	s3 =	simm.s32 @!p0 $0x1082;
	s9 =	sld [smem:$0x3FB1]  }
0x2f: {  	lr =	sadd.s32 s0, s3;
	s0 =	sld [smem:$0x3FA8]  }
0x30: {  	s3 =	sld [smem:$0x3FAB]  }
0x31: {  	[smem:$0x3FB4] =	sst s10  }
0x32: {  	s10 =	sld [smem:$0x3FB2];
	_ =	sdelay $0x3  }
0x33: {  	p0 =	seq.s32 s10, $0x1;
	s10 =	sld [smem:$0x3FB4];
	_ =	sdelay $0x3  }
0x34: {  	[smem:$0x3FB4] =	sst s10  }
0x35: {  	s10 =	sld [smem:$0x3FB3];
	_ =	sdelay $0x3  }
0x36: {  	p1 =	seq.s32 s10, $0x1;
	s10 =	sld [smem:$0x3FB4];
	_ =	sdelay $0x3  }
0x37: {  	[smem:$0x3FB4] =	sst s10  }
0x38: {  	s10 =	sld [smem:$0x3FB5]  }
0x39: {  	_ = 	snop;
	(pc) =	sbr.ind lr, $3  }
0x3a: {  	_ = 	snop  }
0x3b: {  	_ = 	snop  }
0x3c: {  	p2 =	seq.s32 s10, $0x1;
	s10 =	sld [smem:$0x3FB4]  }
0x3d: {  	_ =	shalt  }
0x3e: {  	_ =	shalt  }
0x3f: {  	_ =	shalt  }
0x40: {  	_ =	shalt  }
0x41: {  	_ =	shalt  }
0x42: {  	_ =	shalt  }
0x43: {  	_ =	shalt  }
0x44: {  	_ =	shalt  }
0x45: {  	_ =	shalt  }
0x46: {  	_ =	shalt  }
0x47: {  	_ =	shalt  }
0x48: {  	_ =	shalt  }
0x49: {  	_ =	shalt  }
0x4a: {  	_ =	shalt  }
0x4b: {  	_ =	shalt  }
0x4c: {  	_ =	shalt  }
0x4d: {  	_ =	shalt  }
0x4e: {  	_ =	shalt  }
0x4f: {  	_ =	shalt  }
0x50: {  	_ =	shalt  }
0x51: {  	_ =	shalt  }
0x52: {  	_ =	shalt  }
0x53: {  	_ =	shalt  }
0x54: {  	_ =	shalt  }
0x55: {  	_ =	shalt  }
0x56: {  	_ =	shalt  }
0x57: {  	_ =	shalt  }
0x58: {  	_ =	shalt  }
0x59: {  	_ =	shalt  }
0x5a: {  	_ =	shalt  }
0x5b: {  	_ =	shalt  }
0x5c: {  	_ =	shalt  }
0x5d: {  	_ =	shalt  }
0x5e: {  	_ =	shalt  }
0x5f: {  	_ =	shalt  }
0x60: {  	_ =	shalt  }
0x61: {  	_ =	shalt  }
0x62: {  	_ =	shalt  }
0x63: {  	_ =	shalt  }
0x64: {  	_ =	shalt  }
0x65: {  	_ =	shalt  }
0x66: {  	_ =	shalt  }
0x67: {  	_ =	shalt  }
0x68: {  	_ =	shalt  }
0x69: {  	_ =	shalt  }
0x6a: {  	_ =	shalt  }
0x6b: {  	_ =	shalt  }
0x6c: {  	_ =	shalt  }
0x6d: {  	_ =	shalt  }
0x6e: {  	_ =	shalt  }
0x6f: {  	_ =	shalt  }
0x70: {  	_ =	shalt  }
0x71: {  	_ =	shalt  }
0x72: {  	_ =	shalt  }
0x73: {  	_ =	shalt  }
0x74: {  	_ =	shalt  }
0x75: {  	_ =	shalt  }
0x76: {  	_ =	shalt  }
0x77: {  	_ =	shalt  }
0x78: {  	_ =	shalt  }
0x79: {  	_ =	shalt  }
0x7a: {  	_ =	shalt  }
0x7b: {  	_ =	shalt  }
0x7c: {  	_ =	shalt  }
0x7d: {  	_ =	shalt  }
0x7e: {  	_ =	shalt  }
0x7f: {  	_ =	shalt  }
0x80: {  	_ =	shalt  }
0x81: {  	_ =	shalt  }
0x82: {  	_ =	shalt  }
0x83: {  	_ =	shalt  }
0x84: {  	_ =	shalt  }
0x85: {  	_ =	shalt  }
0x86: {  	_ =	shalt  }
0x87: {  	_ =	shalt  }
.Lfunc_end0:
.L_simem_size_0:
called_computation.1_lowered:
.L_overlay_start_0:
0x88: {  	s2 =	sld [smem:$0x3FD9]  }
0x89: {  	s3 =	sld [smem:$0x3FFE];
	_ =	sdelay $0x1  }
0x8a: {  	s1 =	srdreg.scid  }
0x8b: {  	s0 =	sand.u32 $0x1, s1  }
0x8c: {  	s16 =	sshll.u32 s0, $0xA;
	s2 =	sadd.s32 s3, s2  }
0x8d: {  	s2 =	sadd.s32 s2, s16  }
0x8e: {  	[smem:$0x3FC0] =	sst s2  }
0x8f: {  	_ = 	snop  }
0x90: {  	(tm) =	ssettm $0x1  }
0x91: {  	s17 =	sld [smem:$0x3FFB];
	_ =	sdelay $0x3  }
0x92: {  	_ =	strace s17  }
0x93: {  	s2 =	sld [smem:$0x3FFC];
	_ =	sdelay $0x3  }
0x94: {  	_ =	strace s2  }
0x95: {  	s2 =	sld [smem:$0x3FFD];
	_ =	sdelay $0x3  }
0x96: {  	_ =	strace s2  }
0x97: {  	_ =	strace $0x8FFFFFFF  }
0x98: {  	s18 =	sld [smem:$0x3FDB];
	_ =	sdelay $0x1  }
0x99: {  	s19 =	simm.s32 $_scs_section_size  }
0x9a: {  	s4 =	simm.s32 $_size__tile_overlayer_lowered;
	s5 =	simm.s32 $_tile_overlayer_lowered  }
0x9b: {  	s22 =	simm.s32 $0x1BFF;
	s21 =	sshll.u32 s5, $0x1;
	s2 =	sadd.s32 s19, s18  }
0x9c: {  	s6 =	simm.s32 $0x0;
	s20 =	sshll.u32 s4, $0x1;
	s4 =	sadd.s32 s21, s2  }
0x9d: {  	[timem:s6], [sflag:s22] =	dma.local [hbm:s4], s20  }
0x9e: {  	_ =	swait.ge [sflag:s22], s20  }
0x9f: {  	s3 =	ssub.s32 $0x0, s20;
	[sflag:s22] =	ssyncset.done $0x0  }
0xa0: {  	[sflag:s22] =	ssyncadd.s32 s3;
	_ =	sdelay $0x1  }
0xa1: {  	s23 =	simm.s32 $0x1B8B  }
0xa2: {  	_ =	swait.ge [sflag:s23], $0x1  }
0xa3: {  	[sflag:s23] =	ssyncset.done $0x0  }
0xa4: {  	s25 =	simm.s32 $0x1B8E;
	s24 =	sld [smem:$0x3FFE];
	[sflag:s23] =	ssyncadd.s32 $0xFFFFFFFF  }
0xa5: {  	s26 =	simm.s32 $execute0_lowered;
	[smem:$0x3FD2] =	sst s25  }
0xa6: {  	s4 =	sshll.u32 s26, $0x1;
	_ =	strace $0x80000049;
	[dreg:$0x1] =	wrdreg $0xFFFFFFFF  }
0xa7: {  	s28 =	simm.s32 $_size_execute0_lowered;
	s2 =	sadd.s32 s2, s4;
	[dreg:$0x0] =	wrdreg $0x0  }
0xa8: {  	s4 =	sshll.u32 s28, $0x1;
	[dreg:$0x2] =	wrdreg s2  }
0xa9: {  	[dreg:$0x3] =	wrdreg s4  }
0xaa: {  	[dreg:$0x4] =	wrdreg $0xC0  }
0xab: {  	_ =	task [dreg:s6], $0x5FFFF  }
0xac: {  	[dreg:$0x1] =	wrdreg $0xFFFFFFFF  }
0xad: {  	[dreg:$0x0] =	wrdreg $0x60  }
0xae: {  	[dreg:$0x2] =	wrdreg s24  }
0xaf: {  	[dreg:$0x3] =	wrdreg $0x116200  }
0xb0: {  	[dreg:$0x4] =	wrdreg $0x9  }
0xb1: {  	_ =	task.clear_ibuf [dreg:s6], $0x5FFFF;
	_ =	strace $0x90000049  }
0xb2: {  	s29 =	simm.s32 $0x9;
	_ =	strace $0x8000004B  }
0xb3: {  	_ =	swait.ge [sflag:s29], $0x1  }
0xb4: {  	[sflag:s29] =	ssyncadd.s32 $0xFFFFFFFF  }
0xb5: {  	_ =	strace $0x9000004B  }
0xb6: {  	_ =	sfence  }
0xb7: {  	s30 =	sld [smem:$0x0];
	_ =	sdelay $0x2  }
0xb8: {  	s31 =	sshll.u32 s1, $0xD;
	s1 =	sshrl.u32 s1, $0x2  }
0xb9: {  	s3 =	sand.u32 $0x4000, s31;
	s1 =	sadd.s32 s1, s30  }
0xba: {  	s0 =	sor.u32 s3, s0;
	s1 =	sshll.u32 s1, $0x11  }
0xbb: {  	s0 =	sor.u32 s1, s0  }
0xbc: {  	s0 =	sadd.s32 $0x8F2B, s0  }
0xbd: {  	[sflag:s0] =	ssyncadd.remote.s32 $0x1  }
0xbe: {  	_ =	sfence.sel $0xFFFF  }
0xbf: {  	[dreg:$0x0] =	wrdreg $0xFFFFFFFF;
	(pc) =	sbr.abs _section_cstart, $3  }
0xc0: {  	[dreg:$0x1] =	wrdreg $0xFFFFFFFF  }
0xc1: {  	_ =	task.clear_ibuf [dreg:s6], $0x2FFFF;
	_ =	strace $0x9FFFFFFF  }
0xc2: {  	(tm) =	ssettm $0x7FFFFFFF  }
0xc3: {  	_ =	shalt  }
tec
execute0_lowered:
.L_overlay_start_1:
0x0: {  	(tag) =	ssettag $0x1  }
0x1: {  	s0 =	srdreg.scid  }
0x2: {  	s30 =	stileid.u32;
	s6 =	rddreg [dreg:$0x0]  }
0x3: {  	s2 =	rddreg [dreg:$0x1];
	s3 =	simm.s32 $0x0;
	s12 =	simm.s32 $0x4E20  }
0x4: {  	s13 =	simm.s32 $0x6220;
	s14 =	simm.s32 $0xA0;
	s15 =	simm.s32 $0x7620  }
0x5: {  	s16 =	simm.s32 $0xF0;
	s17 =	simm.s32 $0x8A20;
	s18 =	simm.s32 $0x140  }
0x6: {  	s19 =	simm.s32 $0x9E20;
	s20 =	simm.s32 $0x2710;
	s23 =	simm.s32 $0x1  }
0x7: {  	s24 =	simm.s32 $0x2;
	s25 =	simm.s32 $0x0;
	s5 =	sand.u32 $0x1, s0  }
0x8: {  	s7 =	smul.u32 $0xA000, s30;
	[smem:$0x7FF] =	sst s3;
	s21 =	sshll.u32 s30, $0x6  }
0x9: {  	s1 =	sshll.u32 s5, $0x4;
	s8 =	smul.u32 $0xA0000, s5;
	_ =	strace $0x8000004A  }
0xa: {  	s5 =	ssub.s32 $0x2, s5;
	s21 =	sor.u32 $0x1C03, s21;
	s1 =	sor.u32 s30, s1  }
0xb: {  	s10 =	sshrl.u32 s7, $0x3;
	s31 =	sshrl.u32 s5, $0x1;
	s22 =	sadd.s32 s7, s2  }
0xc: {  	s4 =	smul.u32 $0x2710, s1;
	s8 =	sadd.s32 s7, s8;
	s10 =	sadd.s32 s10, s6  }
.Ltmp0:
0xd: {  	s11 =	ssub.s32 s5, s31;
	s22 =	sshrl.u32 s22, $0x3;
	(pc) =	sbr.rel .LBB2_1-.Ltmp0, $4  }
0xe: {  	s8 =	sshrl.u32 s8, $0x3;
	s7 =	sadd.s32 $0xA0E00, s10;
	s9 =	sshrl.u32 s4, $0x3  }
0xf: {  	s10 =	simm.s32 $0x3;
	s8 =	sadd.s32 s8, s6;
	s9 =	sadd.s32 s9, s6  }
0x10: {  	s4 =	sadd.s32 $0x8D400, s6;
	s8 =	sadd.s32 $0xB4E00, s8;
	s5 =	sadd.s32 $0x2800, s9  }
0x11: {  	s6 =	sadd.s32 $0xC440, s9;
	s9 =	smax.u32 s11, $0x1;
	s11 =	simm.s32 $0x50  }
.LBB2_5:
0x12: {  	_ =	swait.ge [sflag:s24], $0x1400  }
0x13: {  	[sflag:s24] =	ssyncset.done $0x0  }
0x14: {  	[sflag:s24] =	ssyncadd.s32 $0xFFFFEC00  }
0x15: {  	_ =	swait.ge [sflag:s24], $0x1400  }
0x16: {  	[sflag:s24] =	ssyncset.done $0x0  }
0x17: {  	[sflag:s24] =	ssyncadd.s32 $0xFFFFEC00  }
0x18: {  	_ =	swait.ge [sflag:s24], $0x1400  }
0x19: {  	[sflag:s24] =	ssyncset.done $0x0  }
0x1a: {  	[sflag:s24] =	ssyncadd.s32 $0xFFFFEC00  }
0x1b: {  	_ =	swait.ge [sflag:s24], $0x1400  }
0x1c: {  	[sflag:s24] =	ssyncset.done $0x0  }
0x1d: {  	[sflag:s24] =	ssyncadd.s32 $0xFFFFEC00  }
0x1e: {  	_ =	swait.ge [sflag:s24], $0x1400  }
0x1f: {  	s25 =	sadd.s32 $0x1, s25;
	[sflag:s24] =	ssyncset.done $0x0  }
0x20: {  	p0 =	sne.s32 s25, s9;
	[sflag:s24] =	ssyncadd.s32 $0xFFFFEC00  }
.Ltmp1:
0x21: {  	[bflag:$0x0] =	sbarrier.arrive $0xFFFF;
	(pc) =	sbr.rel @!p0 .LBB2_6-.Ltmp1, $4  }
0x22: {  	[hbm:s8], [sflag:s21] =	dma.local [spmem:s22], $0x1400  }
0x23: {  	_ =	swait.ge [sflag:s10], $0x1400  }
0x24: {  	[sflag:s10] =	ssyncset.done $0x0  }
0x25: {  	[sflag:s10] =	ssyncadd.s32 $0xFFFFEC00  }
.LBB2_1:
0x26: {  	[tilespmem:s3], [sflag:$0x3] =	stream.linear.gather [hbm4b:s5+s3], $0x2710, $0x38;
	[tilespmem:$0x1B620] =	vst v63  }
0x27: {  	_ =	swait.ge [sflag:s10], $0x2710  }
0x28: {  	[sflag:s10] =	ssyncset.done $0x0  }
0x29: {  	[sflag:s10] =	ssyncadd.s32 $0xFFFFD8F0  }
0x2a: {  	[tilespmem:s12], [sflag:$0x1] =	stream.indirect.gather [hbm4b:s4+s11], $0x40, s3, s11, $0xb8;
	[tilespmem:$0x1B620] =	vst v63  }
0x2b: {  	_ = 	snop  }
0x2c: {  	[tilespmem:s13], [sflag:$0x1] =	stream.indirect.gather [hbm4b:s4+s11], $0x40, s11, s11, $0xb8;
	[tilespmem:$0x1B620] =	vst v63  }
0x2d: {  	_ = 	snop  }
0x2e: {  	[tilespmem:s15], [sflag:$0x1] =	stream.indirect.gather [hbm4b:s4+s11], $0x40, s14, s11, $0xb8;
	[tilespmem:$0x1B620] =	vst v63  }
0x2f: {  	_ = 	snop  }
0x30: {  	[tilespmem:s17], [sflag:$0x1] =	stream.indirect.gather [hbm4b:s4+s11], $0x40, s16, s11, $0xb8;
	[tilespmem:$0x1B620] =	vst v63  }
0x31: {  	_ = 	snop  }
0x32: {  	[tilespmem:s19], [sflag:$0x1] =	stream.indirect.gather [hbm4b:s4+s11], $0x40, s18, s11, $0xb8;
	[tilespmem:$0x1B620] =	vst v63  }
0x33: {  	_ = 	snop  }
0x34: {  	[tilespmem:s20], [sflag:$0x3] =	stream.linear.gather [hbm4b:s6+s3], $0x2710, $0x38;
	[tilespmem:$0x1B620] =	vst v63  }
0x35: {  	_ =	swait.ge [sflag:s10], $0x2710  }
0x36: {  	[sflag:s10] =	ssyncset.done $0x0  }
0x37: {  	[sflag:s10] =	ssyncadd.s32 $0xFFFFD8F0  }
0x38: {  	[spmem:s22], [sflag:s21] =	dma.local [hbm:s7], $0x1400  }
.Ltmp2:
0x39: {  	_ =	swait.ge [sflag:s10], $0x1400;
	(pc) =	sbr.rel .LBB2_2-.Ltmp2, $4  }
0x3a: {  	[sflag:s10] =	ssyncset.done $0x0  }
0x3b: {  	[sflag:s10] =	ssyncadd.s32 $0xFFFFEC00  }
0x3c: {  	[bflag:$0x0] =	sbarrier.arrive $0xFFFF  }
0x3d: {  	s26 =	simm.s32 $0x0  }
.LBB2_4:
0x3e: {  	_ =	swait.ge [sflag:s23], $0x1400  }
0x3f: {  	[sflag:s23] =	ssyncset.done $0x0  }
0x40: {  	[sflag:s23] =	ssyncadd.s32 $0xFFFFEC00  }
0x41: {  	_ =	swait.ge [sflag:s23], $0x1400  }
0x42: {  	[sflag:s23] =	ssyncset.done $0x0  }
0x43: {  	[sflag:s23] =	ssyncadd.s32 $0xFFFFEC00  }
0x44: {  	_ =	swait.ge [sflag:s23], $0x1400  }
0x45: {  	[sflag:s23] =	ssyncset.done $0x0  }
0x46: {  	[sflag:s23] =	ssyncadd.s32 $0xFFFFEC00  }
0x47: {  	_ =	swait.ge [sflag:s23], $0x1400  }
0x48: {  	s0 =	smul.u32 $0x19000, s29;
	[sflag:s23] =	ssyncset.done $0x0  }
0x49: {  	s1 =	smul.u32 $0x640, s26;
	[sflag:s23] =	ssyncadd.s32 $0xFFFFEC00  }
0x4a: {  	_ =	swait.ge [sflag:s23], $0x1400  }
0x4b: {  	s0 =	sshrl.u32 s0, $0x2;
	s1 =	sshra.s32 s1, $0x2;
	[sflag:s23] =	ssyncset.done $0x0  }
0x4c: {  	s30 =	sadd.s32 $0x4E20, s0;
	s31 =	sadd.s32 $0x2710, s1;
	[sflag:s23] =	ssyncadd.s32 $0xFFFFEC00  }
0x4d: {  	[spmem:s2] =	stream.indirect.scatter.add.f32 [tilespmem:s30], [sflag:$0x2], $0x40, s31, s11, $0xb8;
	[tilespmem:$0x1B620] =	vst v63  }
0x4e: {  	s30 =	sadd.s32 $0x6220, s0;
	s31 =	sadd.s32 $0x2760, s1  }
0x4f: {  	[spmem:s2] =	stream.indirect.scatter.add.f32 [tilespmem:s30], [sflag:$0x2], $0x40, s31, s11, $0xb8;
	[tilespmem:$0x1B620] =	vst v63  }
0x50: {  	p0 =	slt.u32 s28, $0x19;
	s30 =	sadd.s32 $0x7620, s0;
	s31 =	sadd.s32 $0x27B0, s1  }
0x51: {  	[spmem:s2] =	stream.indirect.scatter.add.f32 [tilespmem:s30], [sflag:$0x2], $0x40, s31, s11, $0xb8;
	[tilespmem:$0x1B620] =	vst v63  }
.Ltmp3:
0x52: {  	_ = 	snop;
	(pc) =	sbr.rel @!p0 .LBB2_5-.Ltmp3, $4  }
0x53: {  	s30 =	sadd.s32 $0x8A20, s0;
	s31 =	sadd.s32 $0x2800, s1  }
0x54: {  	[spmem:s2] =	stream.indirect.scatter.add.f32 [tilespmem:s30], [sflag:$0x2], $0x40, s31, s11, $0xb8;
	[tilespmem:$0x1B620] =	vst v63  }
0x55: {  	s26 =	smov.u32 s28;
	s0 =	sadd.s32 $0x9E20, s0;
	s1 =	sadd.s32 $0x2850, s1  }
0x56: {  	[spmem:s2] =	stream.indirect.scatter.add.f32 [tilespmem:s0], [sflag:$0x2], $0x40, s1, s11, $0xb8;
	[tilespmem:$0x1B620] =	vst v63  }
.LBB2_2:
0x57: {  	p0 =	seq.s32 s26, $0x0  }
0x58: {  	s28 =	simm.s32 @!p0 $0x2  }
0x59: {  	_ =	swait.ge @!p0 [sflag:s28], $0x1400  }
0x5a: {  	[sflag:s28] =	ssyncset.done @!p0 $0x0  }
0x5b: {  	[sflag:s28] =	ssyncadd.s32 @!p0 $0xFFFFEC00  }
0x5c: {  	_ =	swait.ge @!p0 [sflag:s28], $0x1400  }
0x5d: {  	[sflag:s28] =	ssyncset.done @!p0 $0x0  }
0x5e: {  	[sflag:s28] =	ssyncadd.s32 @!p0 $0xFFFFEC00  }
0x5f: {  	_ =	swait.ge @!p0 [sflag:s28], $0x1400  }
0x60: {  	[sflag:s28] =	ssyncset.done @!p0 $0x0  }
0x61: {  	p1 =	seq.s32 @!p0 s26, $0x18;
	[sflag:s28] =	ssyncadd.s32 @!p0 $0xFFFFEC00  }
0x62: {  	p1 =	por p0, !p1;
	_ =	swait.ge @!p0 [sflag:s28], $0x1400  }
.Ltmp4:
0x63: {  	[sflag:s28] =	ssyncset.done @!p0 $0x0;
	(pc) =	sbr.rel @!p1 .LBB2_4-.Ltmp4, $4  }
0x64: {  	[sflag:s28] =	ssyncadd.s32 @!p0 $0xFFFFEC00  }
0x65: {  	_ =	swait.ge @!p0 [sflag:s28], $0x1400  }
0x66: {  	[sflag:s28] =	ssyncset.done @!p0 $0x0  }
0x67: {  	s29 =	sand.u32 $0x1, s26;
	[sflag:s28] =	ssyncadd.s32 @!p0 $0xFFFFEC00;
	s28 =	simm.s32 @!p0 $0x19  }
0x68: {  	s30 =	sxor.u32 $0x1, s29;
	s28 =	sadd.s32 @!p0 $0x1, s26  }
0x69: {  	s28 =	simm.s32 @p0 $0x1;
	s30 =	smul.u32 $0x19000, s30  }
0x6a: {  	s31 =	smul.u32 $0x640, s28  }
0x6b: {  	s30 =	sshrl.u32 s30, $0x2  }
0x6c: {  	s1 =	sadd.s32 $0x4E20, s30;
	s31 =	sshra.s32 s31, $0x2  }
0x6d: {  	[tilespmem:s1], [sflag:$0x1] =	stream.indirect.gather [hbm4b:s4+s11], $0x40, s31, s11, $0xb8;
	[tilespmem:$0x1B620] =	vst v63  }
0x6e: {  	s1 =	sadd.s32 $0x6220, s30;
	s0 =	sadd.s32 $0x50, s31  }
0x6f: {  	[tilespmem:s1], [sflag:$0x1] =	stream.indirect.gather [hbm4b:s4+s11], $0x40, s0, s11, $0xb8;
	[tilespmem:$0x1B620] =	vst v63  }
0x70: {  	s0 =	sadd.s32 $0x7620, s30;
	s1 =	sadd.s32 $0xA0, s31  }
0x71: {  	[tilespmem:s0], [sflag:$0x1] =	stream.indirect.gather [hbm4b:s4+s11], $0x40, s1, s11, $0xb8;
	[tilespmem:$0x1B620] =	vst v63  }
.Ltmp5:
0x72: {  	_ = 	snop;
	(pc) =	sbr.rel .LBB2_4-.Ltmp5, $4  }
0x73: {  	s0 =	sadd.s32 $0x8A20, s30;
	s1 =	sadd.s32 $0xF0, s31  }
0x74: {  	[tilespmem:s0], [sflag:$0x1] =	stream.indirect.gather [hbm4b:s4+s11], $0x40, s1, s11, $0xb8;
	[tilespmem:$0x1B620] =	vst v63  }
0x75: {  	s30 =	sadd.s32 $0x9E20, s30;
	s31 =	sadd.s32 $0x140, s31  }
0x76: {  	[tilespmem:s30], [sflag:$0x1] =	stream.indirect.gather [hbm4b:s4+s11], $0x40, s31, s11, $0xb8;
	[tilespmem:$0x1B620] =	vst v63  }
.LBB2_6:
0x77: {  	_ =	sfence.sel $0x180000  }
0x78: {  	[bflag:$0x0] =	sbarrier.arrive $0xFFFF  }
0x79: {  	_ =	strace $0x9000004A  }
0x7a: {  	s0 =	stileid.u32;
	[bflag:$0x2] =	sbarrier.arrive $0xFFFF  }
0x7b: {  	p0 =	sne.s32 s0, $0x0;
	s0 =	rddreg [dreg:$0x2]  }
0x7c: {  	s0 =	sadd.s32 @!p0 $0x100000, s0  }
0x7d: {  	[sflag:s0] =	ssyncadd.tile.s32 @!p0 $0x1;
	_ =	shalt  }
.Lfunc_end2:
_tile_overlayer_lowered:
.L_overlay_start_2:
0x7e: {  	(tag) =	ssettag $0x2  }
0x7f: {  	s0 =	rddreg [dreg:$0x0];
	s2 =	stileid.u32  }
0x80: {  	s1 =	rddreg [dreg:$0x1];
	p0 =	sne.s32 s2, $0x0  }
0x81: {  	s3 =	rddreg [dreg:$0x2];
	[bflag:$0x3] =	sbarrier.arrive $0xFFFF;
	s2 =	simm.s32 @!p0 $0x1C03  }
0x82: {  	[timem:s3], [sflag:s2] =	dma.local @!p0 [hbm:s0], s1  }
0x83: {  	s0 =	simm.s32 @!p0 $0x3  }
0x84: {  	_ =	swait.ge @!p0 [sflag:s0], s1  }
0x85: {  	s1 =	ssub.s32 @!p0 $0x0, s1;
	[sflag:s0] =	ssyncset.done @!p0 $0x0  }
0x86: {  	[sflag:s0] =	ssyncadd.s32 @!p0 s1  }
0x87: {  	[bflag:$0x3] =	sbarrier.arrive $0xFFFF  }
0x88: {  	_ =	shalt  }

// kernel: kernel.7.cloned.1.call-start
scs
__scs_entry_jumppad:
0x0: {  	(pc) =	sbr.rel $0x88, $3  }
0x1: {  	(tag) =	ssettag $0x0;
	lr =	simm.s32 $0x1  }
0x2: {  	[smem:$0x3F99] =	sst lr;
	_ =	strace $0xD0000000  }
0x3: {  	_ = 	snop  }
0x4: {  	_ = 	snop  }
0x5: {  	_ = 	snop  }
0x6: {  	_ = 	snop  }
0x7: {  	_ = 	snop  }
__scs_overlays_trampoline_lowered:
0x8: {  	[smem:$0x3FA8] =	sst s0  }
0x9: {  	[smem:$0x3FA9] =	sst s1  }
0xa: {  	[smem:$0x3FAA] =	sst s2  }
0xb: {  	[smem:$0x3FAB] =	sst s3  }
0xc: {  	[smem:$0x3FAC] =	sst s4  }
0xd: {  	[smem:$0x3FAD] =	sst s5  }
0xe: {  	[smem:$0x3FAE] =	sst s6  }
0xf: {  	[smem:$0x3FAF] =	sst s7  }
0x10: {  	[smem:$0x3FB0] =	sst s8  }
0x11: {  	[smem:$0x3FB1] =	sst s9;
	s0 =	simm.s32 @!p0 $0x0  }
0x12: {  	s1 =	sld [smem:$0x3F97];
	s0 =	simm.s32 @p0 $0x1  }
0x13: {  	[smem:$0x3FB2] =	sst s0;
	s0 =	simm.s32 @!p1 $0x0  }
0x14: {  	s2 =	sld [smem:$0x3F96];
	s0 =	simm.s32 @p1 $0x1  }
0x15: {  	[smem:$0x3FB3] =	sst s0;
	s0 =	simm.s32 @!p2 $0x0  }
0x16: {  	s3 =	sld [smem:$0x3FDB];
	s0 =	simm.s32 @p2 $0x1  }
0x17: {  	s4 =	simm.s32 $0x1BF5;
	[smem:$0x3FB5] =	sst s0  }
0x18: {  	s0 =	sld [smem:$0x3F98];
	_ =	swait.ge [sflag:s4], $0x0  }
0x19: {  	s7 =	sld [smem:$0x3F99]  }
0x1a: {  	s8 =	sadd.s32 $0xFFFFE003, lr  }
0x1b: {  	s9 =	sadd.s32 $0xFFFFFEF7, lr;
	s5 =	simm.s32 $0xFFFFFFFF;
	p2 =	slt.u32 s8, $0xFFFFF086  }
0x1c: {  	p1 =	slt.u32 s9, $0xF7A;
	s5 =	simm.s32 @!p2 $0x0  }
0x1d: {  	s5 =	simm.s32 @p1 $0x1;
	p0 =	seq.s32 s7, s2  }
0x1e: {  	s7 =	smul.u32 @!p0 $0xF7A, s2;
	p2 =	seq.s32 @!p0 s5, $0x0  }
0x1f: {  	s9 =	smul.u32 $0xF7A, s1;
	s8 =	simm.s32 @!p0 $0x1BF5;
	p2 =	por !p2, p0  }
0x20: {  	[sflag:s8] =	ssyncset.s32 @!p0 $0xFFFFF086;
	s6 =	sadd.s32 @!p0 s3, s7;
	s7 =	simm.s32 @!p0 $0x108  }
0x21: {  	s3 =	sadd.s32 s3, s9;
	s6 =	sadd.s32 @!p0 $0x88, s6;
	s7 =	simm.s32 @p2 $0x1082  }
0x22: {  	[simem:s7], [sflag:s8] =	dma.local @!p0 [hbm:s6], $0xF7A  }
0x23: {  	s9 =	sor.u32 $0xD0000000, s2;
	s6 =	simm.s32 $0x108;
	_ =	swait.ge @!p0 [sflag:s8], $0x0  }
0x24: {  	s3 =	sadd.s32 $0x88, s3;
	s6 =	simm.s32 @!p1 $0x1082;
	[sflag:s4] =	ssyncset.s32 $0xFFFFF086  }
0x25: {  	[simem:s6], [sflag:s4] =	dma.local [hbm:s3], $0xF7A  }
0x26: {  	[smem:$0x3F99] =	sst s1;
	(tag) =	ssettag s2;
	_ =	strace s9  }
0x27: {  	s1 =	sld [smem:$0x3FA9]  }
0x28: {  	s2 =	sld [smem:$0x3FAA]  }
0x29: {  	s4 =	sld [smem:$0x3FAC]  }
0x2a: {  	p0 =	seq.s32 s5, $0x0;
	s5 =	sld [smem:$0x3FAD]  }
0x2b: {  	s6 =	sld [smem:$0x3FAE]  }
0x2c: {  	s7 =	sld [smem:$0x3FAF]  }
0x2d: {  	s3 =	simm.s32 $0x108;
	s8 =	sld [smem:$0x3FB0]  }
0x2e: {  	s3 =	simm.s32 @!p0 $0x1082;
	s9 =	sld [smem:$0x3FB1]  }
0x2f: {  	lr =	sadd.s32 s0, s3;
	s0 =	sld [smem:$0x3FA8]  }
0x30: {  	s3 =	sld [smem:$0x3FAB]  }
0x31: {  	[smem:$0x3FB4] =	sst s10  }
0x32: {  	s10 =	sld [smem:$0x3FB2];
	_ =	sdelay $0x3  }
0x33: {  	p0 =	seq.s32 s10, $0x1;
	s10 =	sld [smem:$0x3FB4];
	_ =	sdelay $0x3  }
0x34: {  	[smem:$0x3FB4] =	sst s10  }
0x35: {  	s10 =	sld [smem:$0x3FB3];
	_ =	sdelay $0x3  }
0x36: {  	p1 =	seq.s32 s10, $0x1;
	s10 =	sld [smem:$0x3FB4];
	_ =	sdelay $0x3  }
0x37: {  	[smem:$0x3FB4] =	sst s10  }
0x38: {  	s10 =	sld [smem:$0x3FB5]  }
0x39: {  	_ = 	snop;
	(pc) =	sbr.ind lr, $3  }
0x3a: {  	_ = 	snop  }
0x3b: {  	_ = 	snop  }
0x3c: {  	p2 =	seq.s32 s10, $0x1;
	s10 =	sld [smem:$0x3FB4]  }
0x3d: {  	_ =	shalt  }
0x3e: {  	_ =	shalt  }
0x3f: {  	_ =	shalt  }
0x40: {  	_ =	shalt  }
0x41: {  	_ =	shalt  }
0x42: {  	_ =	shalt  }
0x43: {  	_ =	shalt  }
0x44: {  	_ =	shalt  }
0x45: {  	_ =	shalt  }
0x46: {  	_ =	shalt  }
0x47: {  	_ =	shalt  }
0x48: {  	_ =	shalt  }
0x49: {  	_ =	shalt  }
0x4a: {  	_ =	shalt  }
0x4b: {  	_ =	shalt  }
0x4c: {  	_ =	shalt  }
0x4d: {  	_ =	shalt  }
0x4e: {  	_ =	shalt  }
0x4f: {  	_ =	shalt  }
0x50: {  	_ =	shalt  }
0x51: {  	_ =	shalt  }
0x52: {  	_ =	shalt  }
0x53: {  	_ =	shalt  }
0x54: {  	_ =	shalt  }
0x55: {  	_ =	shalt  }
0x56: {  	_ =	shalt  }
0x57: {  	_ =	shalt  }
0x58: {  	_ =	shalt  }
0x59: {  	_ =	shalt  }
0x5a: {  	_ =	shalt  }
0x5b: {  	_ =	shalt  }
0x5c: {  	_ =	shalt  }
0x5d: {  	_ =	shalt  }
0x5e: {  	_ =	shalt  }
0x5f: {  	_ =	shalt  }
0x60: {  	_ =	shalt  }
0x61: {  	_ =	shalt  }
0x62: {  	_ =	shalt  }
0x63: {  	_ =	shalt  }
0x64: {  	_ =	shalt  }
0x65: {  	_ =	shalt  }
0x66: {  	_ =	shalt  }
0x67: {  	_ =	shalt  }
0x68: {  	_ =	shalt  }
0x69: {  	_ =	shalt  }
0x6a: {  	_ =	shalt  }
0x6b: {  	_ =	shalt  }
0x6c: {  	_ =	shalt  }
0x6d: {  	_ =	shalt  }
0x6e: {  	_ =	shalt  }
0x6f: {  	_ =	shalt  }
0x70: {  	_ =	shalt  }
0x71: {  	_ =	shalt  }
0x72: {  	_ =	shalt  }
0x73: {  	_ =	shalt  }
0x74: {  	_ =	shalt  }
0x75: {  	_ =	shalt  }
0x76: {  	_ =	shalt  }
0x77: {  	_ =	shalt  }
0x78: {  	_ =	shalt  }
0x79: {  	_ =	shalt  }
0x7a: {  	_ =	shalt  }
0x7b: {  	_ =	shalt  }
0x7c: {  	_ =	shalt  }
0x7d: {  	_ =	shalt  }
0x7e: {  	_ =	shalt  }
0x7f: {  	_ =	shalt  }
0x80: {  	_ =	shalt  }
0x81: {  	_ =	shalt  }
0x82: {  	_ =	shalt  }
0x83: {  	_ =	shalt  }
0x84: {  	_ =	shalt  }
0x85: {  	_ =	shalt  }
0x86: {  	_ =	shalt  }
0x87: {  	_ =	shalt  }
.Lfunc_end0:
.L_simem_size_0:
called_computation_lowered:
.L_overlay_start_0:
0x88: {  	s2 =	sld [smem:$0x3FD9]  }
0x89: {  	s3 =	sld [smem:$0x3FFE];
	_ =	sdelay $0x1  }
0x8a: {  	s1 =	srdreg.scid  }
0x8b: {  	s0 =	sand.u32 $0x1, s1  }
0x8c: {  	s17 =	sshll.u32 s0, $0xA;
	s2 =	sadd.s32 s3, s2  }
0x8d: {  	s2 =	sadd.s32 s2, s17  }
0x8e: {  	[smem:$0x3FC0] =	sst s2  }
0x8f: {  	_ = 	snop  }
0x90: {  	s2 =	sld [smem:$0x3FD0];
	(tm) =	ssettm $0x1  }
0x91: {  	s18 =	sld [smem:$0x3FFB];
	_ =	sdelay $0x3  }
0x92: {  	_ =	strace s18  }
0x93: {  	s3 =	sld [smem:$0x3FFC];
	_ =	sdelay $0x3  }
0x94: {  	_ =	strace s3  }
0x95: {  	s3 =	sld [smem:$0x3FFD];
	_ =	sdelay $0x3  }
0x96: {  	_ =	strace s3  }
0x97: {  	_ =	strace $0x8FFFFFFF  }
0x98: {  	s19 =	sld [smem:$0x3FDB];
	_ =	sdelay $0x1  }
0x99: {  	s4 =	simm.s32 $_scs_section_size  }
0x9a: {  	s5 =	simm.s32 $_size__tile_overlayer_lowered;
	s6 =	simm.s32 $_tile_overlayer_lowered  }
0x9b: {  	s22 =	simm.s32 $0x1BFF;
	s21 =	sshll.u32 s6, $0x1;
	s3 =	sadd.s32 s4, s19  }
0x9c: {  	s7 =	simm.s32 $0x0;
	s20 =	sshll.u32 s5, $0x1;
	s5 =	sadd.s32 s21, s3  }
0x9d: {  	[timem:s7], [sflag:s22] =	dma.local [hbm:s5], s20  }
0x9e: {  	_ =	swait.ge [sflag:s22], s20  }
0x9f: {  	s4 =	ssub.s32 $0x0, s20;
	[sflag:s22] =	ssyncset.done $0x0  }
0xa0: {  	[sflag:s22] =	ssyncadd.s32 s4;
	_ =	sdelay $0x1  }
0xa1: {  	s23 =	simm.s32 $0x1B8B  }
0xa2: {  	_ =	swait.ge [sflag:s23], $0x1  }
0xa3: {  	[sflag:s23] =	ssyncset.done $0x0  }
0xa4: {  	s25 =	simm.s32 $0x1B8E;
	s24 =	sld [smem:$0x3FFE];
	[sflag:s23] =	ssyncadd.s32 $0xFFFFFFFF  }
0xa5: {  	s26 =	simm.s32 $execute0_lowered;
	[smem:$0x3FD2] =	sst s25  }
0xa6: {  	s5 =	sshll.u32 s26, $0x1;
	_ =	strace $0x80000046;
	[dreg:$0x1] =	wrdreg $0xFFFFFFFF  }
0xa7: {  	s28 =	simm.s32 $_size_execute0_lowered;
	s3 =	sadd.s32 s3, s5;
	[dreg:$0x0] =	wrdreg $0x0  }
0xa8: {  	s5 =	sshll.u32 s28, $0x1;
	[dreg:$0x2] =	wrdreg s3  }
0xa9: {  	[dreg:$0x3] =	wrdreg s5  }
0xaa: {  	[dreg:$0x4] =	wrdreg $0xC0  }
0xab: {  	_ =	task [dreg:s7], $0x5FFFF  }
0xac: {  	[dreg:$0x1] =	wrdreg $0xFFFFFFFF  }
0xad: {  	[dreg:$0x0] =	wrdreg $0x60  }
0xae: {  	[dreg:$0x2] =	wrdreg s24  }
0xaf: {  	[dreg:$0x3] =	wrdreg s2  }
0xb0: {  	[dreg:$0x4] =	wrdreg $0x2C100  }
0xb1: {  	[dreg:$0x5] =	wrdreg $0x9  }
0xb2: {  	_ =	task.clear_ibuf [dreg:s7], $0x6FFFF;
	_ =	strace $0x90000046  }
0xb3: {  	s29 =	simm.s32 $0x9;
	_ =	strace $0x80000048  }
0xb4: {  	_ =	swait.ge [sflag:s29], $0x1  }
0xb5: {  	[sflag:s29] =	ssyncadd.s32 $0xFFFFFFFF  }
0xb6: {  	_ =	strace $0x90000048  }
0xb7: {  	_ =	sfence  }
0xb8: {  	s30 =	sld [smem:$0x0];
	_ =	sdelay $0x2  }
0xb9: {  	s31 =	sshll.u32 s1, $0xD;
	s1 =	sshrl.u32 s1, $0x2  }
0xba: {  	s3 =	sand.u32 $0x4000, s31;
	s1 =	sadd.s32 s1, s30  }
0xbb: {  	s0 =	sor.u32 s3, s0;
	s1 =	sshll.u32 s1, $0x11  }
0xbc: {  	s0 =	sor.u32 s1, s0  }
0xbd: {  	s0 =	sadd.s32 $0x8F2B, s0  }
0xbe: {  	[sflag:s0] =	ssyncadd.remote.s32 $0x1  }
0xbf: {  	_ =	sfence.sel $0xFFFF  }
0xc0: {  	[dreg:$0x0] =	wrdreg $0xFFFFFFFF;
	(pc) =	sbr.abs _section_cstart, $3  }
0xc1: {  	[dreg:$0x1] =	wrdreg $0xFFFFFFFF  }
0xc2: {  	_ =	task.clear_ibuf [dreg:s7], $0x2FFFF;
	_ =	strace $0x9FFFFFFF  }
0xc3: {  	(tm) =	ssettm $0x7FFFFFFF  }
tec
execute0_lowered:
.L_overlay_start_1:
0x0: {  	(tag) =	ssettag $0x1  }
0x1: {  	s7 =	rddreg [dreg:$0x0]  }
0x2: {  	s8 =	rddreg [dreg:$0x1]  }
0x3: {  	s2 =	rddreg [dreg:$0x2]  }
0x4: {  	s0 =	rddreg [dreg:$0x3];
	s4 =	srdreg.scid  }
0x5: {  	s3 =	simm.s32 $0x0;
	s1 =	stileid.u32;
	s14 =	simm.s32 $0x1  }
0x6: {  	s15 =	simm.s32 $0x0;
	s5 =	sand.u32 $0x1, s4;
	[smem:$0x7FF] =	sst s3  }
0x7: {  	s6 =	smul.u32 $0x2800, s1;
	s4 =	sadd.s32 $0x1B200, s7;
	s30 =	sshll.u32 s1, $0x6  }
0x8: {  	s9 =	sshll.u32 s5, $0x4;
	_ =	strace $0x80000047;
	s11 =	ssub.s32 $0x2, s5  }
0x9: {  	s13 =	smul.u32 $0x28000, s5;
	s9 =	sor.u32 s1, s9;
	s10 =	sshrl.u32 s6, $0x3  }
0xa: {  	s12 =	sshrl.u32 s11, $0x1;
	s29 =	sadd.s32 s6, s2;
	s9 =	smul.u32 $0x2710, s9  }
0xb: {  	s10 =	sadd.s32 s10, s7;
	s11 =	ssub.s32 s11, s12;
	s13 =	sadd.s32 s6, s13  }
0xc: {  	s6 =	sor.u32 $0x1C02, s30;
	s12 =	simm.s32 $0x2710;
	s5 =	sadd.s32 $0x16200, s10  }
0xd: {  	s31 =	sshrl.u32 s13, $0x3;
	s10 =	sshrl.u32 s29, $0x3;
	s9 =	sshrl.u32 s9, $0x3  }
0xe: {  	s13 =	simm.s32 $0x50;
	s8 =	sadd.s32 s8, s31;
	s7 =	sadd.s32 s7, s9  }
0xf: {  	s9 =	smax.u32 s11, $0x1;
	s11 =	simm.s32 $0x2;
	s7 =	sadd.s32 $0xC440, s7  }
.LBB2_1:
0x10: {  	[spmem:s10], [sflag:s6] =	dma.local [hbm:s5], $0x500  }
0x11: {  	_ =	swait.ge [sflag:s11], $0x500  }
0x12: {  	[sflag:s11] =	ssyncset.done $0x0  }
0x13: {  	[sflag:s11] =	ssyncadd.s32 $0xFFFFFB00  }
0x14: {  	[tilespmem:s3], [sflag:$0x2] =	stream.linear.gather [hbm4b:s7+s3], $0x2710, $0x38;
	[tilespmem:$0x5410] =	vst v63  }
0x15: {  	_ =	swait.ge [sflag:s11], $0x2710  }
0x16: {  	[sflag:s11] =	ssyncset.done $0x0  }
0x17: {  	[sflag:s11] =	ssyncadd.s32 $0xFFFFD8F0  }
0x18: {  	[tilespmem:s12], [sflag:$0x2] =	stream.linear.gather [hbm4b:s4+s3], $0x500, $0x38;
	[tilespmem:$0x5410] =	vst v63  }
0x19: {  	_ =	swait.ge [sflag:s11], $0x500  }
0x1a: {  	[sflag:s11] =	ssyncset.done $0x0  }
0x1b: {  	p0 =	por $0x1, $0x1;
	[sflag:s11] =	ssyncadd.s32 $0xFFFFFB00  }
0x1c: {  	s18 =	simm.s32 @!p0 $0x1;
	[bflag:$0x0] =	sbarrier.arrive $0xFFFF  }
0x1d: {  	[spmem:s2] =	stream.indirect.scatter.add.f32 [tilespmem:s12], [sflag:$0x1], $0x10, s3, s13, $0xb8;
	[tilespmem:$0x5410] =	vst v63  }
0x1e: {  	_ =	swait.ge @!p0 [sflag:s18], $0x500  }
0x1f: {  	s16 =	simm.s32 $0x1;
	s17 =	simm.s32 $0x0;
	[sflag:s18] =	ssyncset.done @!p0 $0x0  }
.LBB2_2:
0x20: {  	[sflag:s18] =	ssyncadd.s32 @!p0 $0xFFFFFB00  }
0x21: {  	s17 =	sadd.s32 $0x50, s17;
	s18 =	smov.u32 s16;
	s16 =	sadd.s32 $0x1, s16  }
0x22: {  	p1 =	sne.s32 s16, $0x7D  }
0x23: {  	[spmem:s2] =	stream.indirect.scatter.add.f32 [tilespmem:s12], [sflag:$0x1], $0x10, s17, s13, $0xb8;
	[tilespmem:$0x5410] =	vst v63  }
.Ltmp0:
0x24: {  	_ = 	snop;
	(pc) =	sbr.rel @p1 .LBB2_2-.Ltmp0, $4  }
0x25: {  	p0 =	slt.u32 s18, $0x10  }
0x26: {  	s18 =	simm.s32 @!p0 $0x1  }
0x27: {  	_ =	swait.ge @!p0 [sflag:s18], $0x500  }
0x28: {  	[sflag:s18] =	ssyncset.done @!p0 $0x0  }
0x29: {  	[sflag:s18] =	ssyncadd.s32 @!p0 $0xFFFFFB00  }
0x2a: {  	_ =	swait.ge [sflag:s14], $0x500  }
0x2b: {  	[sflag:s14] =	ssyncset.done $0x0  }
0x2c: {  	[sflag:s14] =	ssyncadd.s32 $0xFFFFFB00  }
0x2d: {  	_ =	swait.ge [sflag:s14], $0x500  }
0x2e: {  	[sflag:s14] =	ssyncset.done $0x0  }
0x2f: {  	[sflag:s14] =	ssyncadd.s32 $0xFFFFFB00  }
0x30: {  	_ =	swait.ge [sflag:s14], $0x500  }
0x31: {  	[sflag:s14] =	ssyncset.done $0x0  }
0x32: {  	[sflag:s14] =	ssyncadd.s32 $0xFFFFFB00  }
0x33: {  	_ =	swait.ge [sflag:s14], $0x500  }
0x34: {  	[sflag:s14] =	ssyncset.done $0x0  }
0x35: {  	[sflag:s14] =	ssyncadd.s32 $0xFFFFFB00  }
0x36: {  	_ =	swait.ge [sflag:s14], $0x500  }
0x37: {  	[sflag:s14] =	ssyncset.done $0x0  }
0x38: {  	[sflag:s14] =	ssyncadd.s32 $0xFFFFFB00  }
0x39: {  	_ =	swait.ge [sflag:s14], $0x500  }
0x3a: {  	[sflag:s14] =	ssyncset.done $0x0  }
0x3b: {  	[sflag:s14] =	ssyncadd.s32 $0xFFFFFB00  }
0x3c: {  	_ =	swait.ge [sflag:s14], $0x500  }
0x3d: {  	[sflag:s14] =	ssyncset.done $0x0  }
0x3e: {  	[sflag:s14] =	ssyncadd.s32 $0xFFFFFB00  }
0x3f: {  	_ =	swait.ge [sflag:s14], $0x500  }
0x40: {  	[sflag:s14] =	ssyncset.done $0x0  }
0x41: {  	[sflag:s14] =	ssyncadd.s32 $0xFFFFFB00  }
0x42: {  	_ =	swait.ge [sflag:s14], $0x500  }
0x43: {  	[sflag:s14] =	ssyncset.done $0x0  }
0x44: {  	[sflag:s14] =	ssyncadd.s32 $0xFFFFFB00  }
0x45: {  	_ =	swait.ge [sflag:s14], $0x500  }
0x46: {  	[sflag:s14] =	ssyncset.done $0x0  }
0x47: {  	[sflag:s14] =	ssyncadd.s32 $0xFFFFFB00  }
0x48: {  	_ =	swait.ge [sflag:s14], $0x500  }
0x49: {  	[sflag:s14] =	ssyncset.done $0x0  }
0x4a: {  	[sflag:s14] =	ssyncadd.s32 $0xFFFFFB00  }
0x4b: {  	_ =	swait.ge [sflag:s14], $0x500  }
0x4c: {  	[sflag:s14] =	ssyncset.done $0x0  }
0x4d: {  	[sflag:s14] =	ssyncadd.s32 $0xFFFFFB00  }
0x4e: {  	_ =	swait.ge [sflag:s14], $0x500  }
0x4f: {  	[sflag:s14] =	ssyncset.done $0x0  }
0x50: {  	[sflag:s14] =	ssyncadd.s32 $0xFFFFFB00  }
0x51: {  	_ =	swait.ge [sflag:s14], $0x500  }
0x52: {  	[sflag:s14] =	ssyncset.done $0x0  }
0x53: {  	[sflag:s14] =	ssyncadd.s32 $0xFFFFFB00  }
0x54: {  	_ =	swait.ge [sflag:s14], $0x500  }
0x55: {  	[sflag:s14] =	ssyncset.done $0x0  }
0x56: {  	[sflag:s14] =	ssyncadd.s32 $0xFFFFFB00  }
0x57: {  	_ =	swait.ge [sflag:s14], $0x500  }
0x58: {  	s15 =	sadd.s32 $0x1, s15;
	[sflag:s14] =	ssyncset.done $0x0  }
0x59: {  	p0 =	sne.s32 s15, s9;
	[sflag:s14] =	ssyncadd.s32 $0xFFFFFB00  }
.Ltmp1:
0x5a: {  	[bflag:$0x0] =	sbarrier.arrive $0xFFFF;
	(pc) =	sbr.rel @p0 .LBB2_1-.Ltmp1, $4  }
0x5b: {  	[hbm:s8], [sflag:s6] =	dma.local [spmem:s10], $0x500  }
0x5c: {  	_ =	swait.ge [sflag:s11], $0x500  }
0x5d: {  	[sflag:s11] =	ssyncset.done $0x0  }
0x5e: {  	[sflag:s11] =	ssyncadd.s32 $0xFFFFFB00  }
0x5f: {  	_ =	sfence.sel $0x180000  }
0x60: {  	[bflag:$0x0] =	sbarrier.arrive $0xFFFF  }
0x61: {  	p0 =	sne.s32 s1, $0x0;
	_ =	strace $0x90000047  }
0x62: {  	s0 =	sadd.s32 @!p0 $0x100000, s0;
	[bflag:$0x2] =	sbarrier.arrive $0xFFFF  }
0x63: {  	[sflag:s0] =	ssyncadd.tile.s32 @!p0 $0x1;
	_ =	shalt  }
.Lfunc_end2:
_tile_overlayer_lowered:
.L_overlay_start_2:
0x64: {  	(tag) =	ssettag $0x2  }
0x65: {  	s0 =	rddreg [dreg:$0x0];
	s2 =	stileid.u32  }
0x66: {  	s1 =	rddreg [dreg:$0x1];
	p0 =	sne.s32 s2, $0x0  }
0x67: {  	s3 =	rddreg [dreg:$0x2];
	[bflag:$0x3] =	sbarrier.arrive $0xFFFF;
	s2 =	simm.s32 @!p0 $0x1C02  }
0x68: {  	[timem:s3], [sflag:s2] =	dma.local @!p0 [hbm:s0], s1  }
0x69: {  	s0 =	simm.s32 @!p0 $0x2  }
0x6a: {  	_ =	swait.ge @!p0 [sflag:s0], s1  }
0x6b: {  	s1 =	ssub.s32 @!p0 $0x0, s1;
	[sflag:s0] =	ssyncset.done @!p0 $0x0  }
0x6c: {  	[sflag:s0] =	ssyncadd.s32 @!p0 s1  }
0x6d: {  	[bflag:$0x3] =	sbarrier.arrive $0xFFFF  }
0x6e: {  	_ =	shalt  }

</sc_bundles>
